<compile_context>
chip_gen: v7x
topology: tpu7x:2x2x1
jax: 0.10.2.dev20260603
libtpu: 0.0.44.dev20260713+nightly
codegen_flags: <defaults>
</compile_context>

<pallas_src>
import functools

import jax
import jax.numpy as jnp
from jax import lax
from jax.experimental import pallas as pl
from jax.experimental.pallas import tpu as pltpu
from jax.experimental.pallas import tpu_sc as plsc

NC, NS, L = 2, 16, 16
NW = NC * NS


def _deg_kernel(N, E, RB):
    EW = E // NW
    nfull, rem = divmod(EW, L)
    NB = N // RB
    mesh = plsc.VectorSubcoreMesh(core_axis_name="c", subcore_axis_name="s")

    @functools.partial(
        pl.kernel,
        out_type=jax.ShapeDtypeStruct((NB, NW, RB), jnp.float32),
        mesh=mesh,
        scratch_types=[
            pltpu.VMEM((EW + L,), jnp.int32),
            pltpu.VMEM((N,), jnp.float32),
        ],
        compiler_params=pltpu.CompilerParams(needs_layout_passes=False, use_tc_tiling_on_sc=False),
    )
    def deg(dst_hbm, degp_hbm, dst_v, hist):
        c = lax.axis_index("c")
        s = lax.axis_index("s")
        w = s * NC + c

        def zero_one(i, carry):
            hist[pl.ds(i * L, L)] = jnp.zeros((L,), jnp.float32)
            return carry

        lax.fori_loop(0, N // L, zero_one, 0)

        base = w * EW
        if rem:
            dst_v[pl.ds(nfull * L, L)] = jnp.zeros((L,), jnp.int32)
        pltpu.sync_copy(dst_hbm.at[pl.ds(base, EW)], dst_v.at[pl.ds(0, EW)])

        ones = jnp.ones((L,), jnp.float32)
        lanes = lax.iota(jnp.int32, L)

        def add_one(i, carry):
            idx = dst_v[pl.ds(i * L, L)]
            plsc.addupdate_scatter(hist, [idx], ones)
            return carry

        lax.fori_loop(0, nfull, add_one, 0)
        if rem:
            idx = dst_v[pl.ds(nfull * L, L)]
            plsc.addupdate_scatter(hist, [idx], ones, mask=lanes < rem)
        for k in range(NB):
            pltpu.sync_copy(hist.at[pl.ds(k * RB, RB)], degp_hbm.at[k, w])

    return deg


def _matmul_kernel(N, C, RB):
    H = C // 2

    def body(x_ref, w_ref, degp_ref, y_ref):
        deg = jnp.sum(degp_ref[0], axis=0) + 1.0
        dis = lax.rsqrt(deg)
        xw = jnp.dot(x_ref[...], w_ref[...], preferred_element_type=jnp.float32)
        y = xw * dis[:, None]
        y_ref[0] = y[:, :H]
        y_ref[1] = y[:, H:]

    return pl.pallas_call(
        body,
        grid=(N // RB,),
        in_specs=[
            pl.BlockSpec((RB, C), lambda i: (i, 0)),
            pl.BlockSpec((C, C), lambda i: (0, 0)),
            pl.BlockSpec((1, NW, RB), lambda i: (i, 0, 0)),
        ],
        out_specs=pl.BlockSpec((2, RB, H), lambda i: (0, i, 0)),
        out_shape=jax.ShapeDtypeStruct((2, N, H), jnp.float32),
    )


def _scatter_kernel(N, H, E, K, RI):
    EW = E // NS
    RT = N // NS
    mesh = plsc.VectorSubcoreMesh(core_axis_name="c", subcore_axis_name="s")

    @functools.partial(
        pl.kernel,
        out_type=jax.ShapeDtypeStruct((2, N, H), jnp.float32),
        mesh=mesh,
        scratch_types=[
            pltpu.VMEM((RI, H), jnp.float32),
            pltpu.VMEM((K,), jnp.int32),
            pltpu.VMEM((K,), jnp.int32),
            pltpu.VMEM((K, H), jnp.float32),
            pltpu.VMEM_SHARED((N, H), jnp.float32),
            pltpu.SemaphoreType.DMA,
        ],
        compiler_params=pltpu.CompilerParams(needs_layout_passes=False, use_tc_tiling_on_sc=False),
    )
    def scatter(y_hbm, src_hbm, dst_hbm, acc_hbm, ibuf, sidx, didx, gbuf,
                acc_sh, sem):
        c = lax.axis_index("c")
        s = lax.axis_index("s")
        row0 = s * RT

        def init_one(k, carry):
            r = row0 + k * RI
            pltpu.sync_copy(y_hbm.at[c].at[pl.ds(r, RI)], ibuf)
            pltpu.sync_copy(ibuf, acc_sh.at[pl.ds(r, RI)])
            return carry

        lax.fori_loop(0, RT // RI, init_one, 0)
        plsc.subcore_barrier()

        def edge_chunk(i, carry):
            base = s * EW + i * K
            pltpu.sync_copy(src_hbm.at[pl.ds(base, K)], sidx)
            pltpu.sync_copy(dst_hbm.at[pl.ds(base, K)], didx)
            pltpu.async_copy(y_hbm.at[c].at[sidx], gbuf, sem).wait()
            pltpu.sync_copy(gbuf, acc_sh.at[didx], add=True)
            return carry

        lax.fori_loop(0, EW // K, edge_chunk, 0)
        plsc.subcore_barrier()

        def out_one(k, carry):
            r = row0 + k * RI
            pltpu.sync_copy(acc_sh.at[pl.ds(r, RI)], ibuf)
            pltpu.sync_copy(ibuf, acc_hbm.at[c].at[pl.ds(r, RI)])
            return carry

        lax.fori_loop(0, RT // RI, out_one, 0)

    return scatter


def _finish_kernel(N, C, RB):
    def body(acc_ref, degp_ref, b_ref, o_ref):
        deg = jnp.sum(degp_ref[0], axis=0) + 1.0
        dis = lax.rsqrt(deg)
        cat = jnp.concatenate([acc_ref[0], acc_ref[1]], axis=1)
        o_ref[...] = jnp.maximum(cat * dis[:, None] + b_ref[...], 0.0)

    return pl.pallas_call(
        body,
        grid=(N // RB,),
        in_specs=[
            pl.BlockSpec((2, RB, C // 2), lambda i: (0, i, 0)),
            pl.BlockSpec((1, NW, RB), lambda i: (i, 0, 0)),
            pl.BlockSpec((1, C), lambda i: (0, 0)),
        ],
        out_specs=pl.BlockSpec((RB, C), lambda i: (i, 0)),
        out_shape=jax.ShapeDtypeStruct((N, C), jnp.float32),
    )


def kernel(x, edge_index, W, b):
    N, C = x.shape
    E = edge_index.shape[1]
    H = C // 2
    RB = 1000

    src = edge_index[0].astype(jnp.int32)
    dst = edge_index[1].astype(jnp.int32)

    degp = _deg_kernel(N, E, RB)(dst)
    y = _matmul_kernel(N, C, RB)(x, W, degp)
    acc = _scatter_kernel(N, H, E, 80, 125)(y, src, dst)
    return _finish_kernel(N, C, RB)(acc, degp, b.reshape(1, C))

# --- scband reference (transcript-rebuilt; emitter-appended) ---
"""Pipeline reference for scband-gcnlayer-24369644437855 (READ-ONLY COPY).

The authoritative reference and input builder live on the scoring server;
editing this copy changes nothing except your own understanding.
"""

import jax, jax.numpy as jnp
import numpy as np

N_NODES = 10000
IN_CH = 256
OUT_CH = 256
N_EDGES = 160000


def setup_inputs(seed: int = 0) -> dict:
    key = jax.random.key(seed)
    k1, k2, k3, k4 = jax.random.split(key, 4)
    x = jax.random.normal(k1, (N_NODES, IN_CH), dtype=jnp.float32)
    edge_index = jax.random.randint(k2, (2, N_EDGES), 0, N_NODES, dtype=jnp.int64)
    # GCNConv learned params: linear weight [in, out] and bias [out]
    W = jax.random.normal(k3, (IN_CH, OUT_CH), dtype=jnp.float32) * (1.0 / np.sqrt(IN_CH))
    b = jnp.zeros((OUT_CH,), dtype=jnp.float32)
    return {"x": x, "edge_index": edge_index, "W": W, "b": b}


def reference(x, edge_index, W, b):
    N = x.shape[0]
    src = edge_index[0]
    dst = edge_index[1]
    # GCNConv: add self-loops
    loop = jnp.arange(N, dtype=edge_index.dtype)
    src = jnp.concatenate([src, loop])
    dst = jnp.concatenate([dst, loop])
    # linear transform
    xw = x @ W
    # symmetric normalization with unit edge weights on A_hat
    deg = jnp.zeros((N,), dtype=xw.dtype).at[dst].add(1.0)
    deg_inv_sqrt = jnp.where(deg > 0, deg ** -0.5, 0.0)
    norm = deg_inv_sqrt[src] * deg_inv_sqrt[dst]
    # message passing: gather from src, scale, scatter-add to dst
    msgs = xw[src] * norm[:, None]
    out = jnp.zeros((N, xw.shape[1]), dtype=xw.dtype).at[dst].add(msgs)
    out = out + b
    # ReLU
    return jax.nn.relu(out)

if __name__ == "__main__":
    import jax
    _d = setup_inputs()
    print(jax.jit(kernel)(*tuple(_d.values())))

</pallas_src>

<mosaic_0001>
#map = affine_map<(d0, d1) -> (0)>
#map1 = affine_map<(d0, d1) -> (0, 0, 0)>
module attributes {stable_mosaic.version = 14 : i64} {
  func.func @deg(%arg0: i32, %arg1: i32, %arg2: memref<160000xi32, #tpu.memory_space<hbm>>, %arg3: memref<10x32x1000xf32, #tpu.memory_space<hbm>>, %arg4: memref<5016xi32, #tpu.memory_space<vmem>>, %arg5: memref<10000xf32, #tpu.memory_space<vmem>>) attributes {dimension_semantics = [#tpu.dimension_semantics<core_parallel>, #tpu.dimension_semantics<subcore_parallel>], iteration_bounds = array<i64: 2, 16>, scalar_prefetch = 0 : i64, scratch_operands = 2 : i64, tpu.core_type = #tpu.core_type<sc_vector_subcore>, window_params = [{transform_indices = #map}, {transform_indices = #map1}]} {
    %mul3A = arith.constant 2 : i32
    %mul3A_0 = arith.muli %arg1, %mul3A : i32
    %add3A = arith.addi %mul3A_0, %arg0 : i32
    %scan3A = arith.constant 0 : i32
    %scan3A_1 = arith.constant 0 : i32
    %scan3A_2 = arith.constant 625 : i32
    %scan3A_3 = arith.addi %scan3A_1, %scan3A_2 : i32
    %scan3A_4 = arith.constant 1 : i32
    scf.for %scan3A_30 = %scan3A_1 to %scan3A_3 step %scan3A_4  : i32 {
      %broadcast_in_dim3A_31 = arith.constant 0.000000e+00 : f32
      %broadcast_in_dim3A_32 = vector.broadcast %broadcast_in_dim3A_31 : f32 to vector<16xf32>
      %mul3A_33 = arith.constant 16 : i32
      %mul3A_34 = arith.muli %scan3A_30, %mul3A_33 : i32
      %swap3A_35 = arith.index_cast %mul3A_34 : i32 to index
      %swap3A_36 = tpu.vector_load %arg5[%swap3A_35] {strides = array<i32>} : memref<10000xf32, #tpu.memory_space<vmem>>, vector<16xf32>,
      tpu.vector_store %arg5[%swap3A_35], %broadcast_in_dim3A_32 {strides = array<i32>} : memref<10000xf32, #tpu.memory_space<vmem>>, vector<16xf32>,
    }
    %scan3A_5 = arith.constant 625 : i32
    %mul3A_6 = arith.constant 5000 : i32
    %mul3A_7 = arith.muli %add3A, %mul3A_6 : i32
    %broadcast_in_dim3A = arith.constant 0 : i32
    %broadcast_in_dim3A_8 = vector.broadcast %broadcast_in_dim3A : i32 to vector<16xi32>
    %swap3A = arith.constant 4992 : index
    %swap3A_9 = tpu.vector_load %arg4[%swap3A] {strides = array<i32>} : memref<5016xi32, #tpu.memory_space<vmem>>, vector<16xi32>,
    tpu.vector_store %arg4[%swap3A], %broadcast_in_dim3A_8 {strides = array<i32>} : memref<5016xi32, #tpu.memory_space<vmem>>, vector<16xi32>,
    "tpu.region"() ({
      %run_scoped3A_30 = tpu.sem_alloc : memref<!tpu.dma_semaphore, #tpu.memory_space<semaphore_mem>>
      %dma_start3A = arith.constant 0 : i32
      %dma_start3A_31 = tpu.memref_slice %arg4[%dma_start3A] : memref<5016xi32, #tpu.memory_space<vmem>> -> memref<5000xi32, #tpu.memory_space<vmem>>
      %dma_start3A_32 = tpu.memref_slice %arg2[%mul3A_7] : memref<160000xi32, #tpu.memory_space<hbm>> -> memref<5000xi32, #tpu.memory_space<hbm>>
      %dma_start3A_33 = arith.constant 0 : i32
      %dma_start3A_34 = tpu.memref_slice %arg4[%dma_start3A_33] : memref<5016xi32, #tpu.memory_space<vmem>> -> memref<5000xi32, #tpu.memory_space<vmem>>
      %dma_start3A_35 = tpu.memref_slice %arg2[%mul3A_7] : memref<160000xi32, #tpu.memory_space<hbm>> -> memref<5000xi32, #tpu.memory_space<hbm>>
      tpu.enqueue_dma source(%dma_start3A_35 : memref<5000xi32, #tpu.memory_space<hbm>>) target(%dma_start3A_34 : memref<5000xi32, #tpu.memory_space<vmem>>) target_semaphore(%run_scoped3A_30 : memref<!tpu.dma_semaphore, #tpu.memory_space<semaphore_mem>>)
      %dma_wait3A = arith.constant 0 : i32
      %dma_wait3A_36 = tpu.memref_slice %arg4[%dma_wait3A] : memref<5016xi32, #tpu.memory_space<vmem>> -> memref<5000xi32, #tpu.memory_space<vmem>>
      %dma_wait3A_37 = tpu.memref_slice %arg2[%mul3A_7] : memref<160000xi32, #tpu.memory_space<hbm>> -> memref<5000xi32, #tpu.memory_space<hbm>>
      %dma_wait3A_38 = arith.constant 0 : i32
      %dma_wait3A_39 = tpu.memref_slice %arg4[%dma_wait3A_38] : memref<5016xi32, #tpu.memory_space<vmem>> -> memref<5000xi32, #tpu.memory_space<vmem>>
      %dma_wait3A_40 = tpu.memref_slice %arg2[%mul3A_7] : memref<160000xi32, #tpu.memory_space<hbm>> -> memref<5000xi32, #tpu.memory_space<hbm>>
      tpu.wait_dma2 semaphore(%run_scoped3A_30 : memref<!tpu.dma_semaphore, #tpu.memory_space<semaphore_mem>>) src(%dma_wait3A_40 : memref<5000xi32, #tpu.memory_space<hbm>>) dst(%dma_wait3A_39 : memref<5000xi32, #tpu.memory_space<vmem>>)
      tpu.yield
    }) : () -> ()
    %broadcast_in_dim3A_10 = arith.constant 1.000000e+00 : f32
    %broadcast_in_dim3A_11 = vector.broadcast %broadcast_in_dim3A_10 : f32 to vector<16xf32>
    %iota3A = tpu.iota {dimensions = array<i32: 0>} : vector<16xi32>
    %scan3A_12 = arith.constant 0 : i32
    %scan3A_13 = arith.constant 0 : i32
    %scan3A_14 = arith.constant 312 : i32
    %scan3A_15 = arith.addi %scan3A_13, %scan3A_14 : i32
    %scan3A_16 = arith.constant 1 : i32
    scf.for %scan3A_30 = %scan3A_13 to %scan3A_15 step %scan3A_16  : i32 {
      %mul3A_31 = arith.constant 16 : i32
      %mul3A_32 = arith.muli %scan3A_30, %mul3A_31 : i32
      %get3A_33 = arith.index_cast %mul3A_32 : i32 to index
      %get3A_34 = tpu.vector_load %arg4[%get3A_33] {strides = array<i32>} : memref<5016xi32, #tpu.memory_space<vmem>>, vector<16xi32>,
      tpu.vector_store_idx %arg5[%get3A_34], %broadcast_in_dim3A_11 {add = true} : memref<10000xf32, #tpu.memory_space<vmem>>[vector<16xi32>], vector<16xf32>,
    }
    %scan3A_17 = arith.constant 312 : i32
    %get3A = arith.constant 4992 : index
    %get3A_18 = tpu.vector_load %arg4[%get3A] {strides = array<i32>} : memref<5016xi32, #tpu.memory_space<vmem>>, vector<16xi32>,
    %lt3A = arith.constant 8 : i32
    %lt3A_19 = vector.broadcast %lt3A : i32 to vector<16xi32>
    %lt3A_20 = arith.cmpi slt, %iota3A, %lt3A_19 : vector<16xi32>
    tpu.vector_store_idx %arg5[%get3A_18], %broadcast_in_dim3A_11 masked %lt3A_20 {add = true} : memref<10000xf32, #tpu.memory_space<vmem>>[vector<16xi32>], vector<16xf32>, vector<16xi1>
    %run_scoped3A = arith.constant 0 : i32
    "tpu.region"() ({
      %run_scoped3A_30 = tpu.sem_alloc : memref<!tpu.dma_semaphore, #tpu.memory_space<semaphore_mem>>
      %dma_start3A = arith.constant 0 : i32
      %dma_start3A_31 = tpu.memref_slice %arg5[%dma_start3A] : memref<10000xf32, #tpu.memory_space<vmem>> -> memref<1000xf32, #tpu.memory_space<vmem>>
      %dma_start3A_32 = arith.constant 0 : i32
      %dma_start3A_33 = tpu.memref_slice %arg3[%run_scoped3A, %add3A, %dma_start3A_32] : memref<10x32x1000xf32, #tpu.memory_space<hbm>> -> memref<1x1x1000xf32, #tpu.memory_space<hbm>>
      %dma_start3A_34 = tpu.memref_squeeze %dma_start3A_33 : memref<1x1x1000xf32, #tpu.memory_space<hbm>> -> memref<1000xf32, #tpu.memory_space<hbm>>
      %dma_start3A_35 = arith.constant 0 : i32
      %dma_start3A_36 = tpu.memref_slice %arg3[%run_scoped3A, %add3A, %dma_start3A_35] : memref<10x32x1000xf32, #tpu.memory_space<hbm>> -> memref<1x1x1000xf32, #tpu.memory_space<hbm>>
      %dma_start3A_37 = tpu.memref_squeeze %dma_start3A_36 : memref<1x1x1000xf32, #tpu.memory_space<hbm>> -> memref<1000xf32, #tpu.memory_space<hbm>>
      %dma_start3A_38 = arith.constant 0 : i32
      %dma_start3A_39 = tpu.memref_slice %arg5[%dma_start3A_38] : memref<10000xf32, #tpu.memory_space<vmem>> -> memref<1000xf32, #tpu.memory_space<vmem>>
      tpu.enqueue_dma source(%dma_start3A_39 : memref<1000xf32, #tpu.memory_space<vmem>>) target(%dma_start3A_37 : memref<1000xf32, #tpu.memory_space<hbm>>) target_semaphore(%run_scoped3A_30 : memref<!tpu.dma_semaphore, #tpu.memory_space<semaphore_mem>>)
      %dma_wait3A = arith.constant 0 : i32
      %dma_wait3A_40 = tpu.memref_slice %arg5[%dma_wait3A] : memref<10000xf32, #tpu.memory_space<vmem>> -> memref<1000xf32, #tpu.memory_space<vmem>>
      %dma_wait3A_41 = arith.constant 0 : i32
      %dma_wait3A_42 = tpu.memref_slice %arg3[%run_scoped3A, %add3A, %dma_wait3A_41] : memref<10x32x1000xf32, #tpu.memory_space<hbm>> -> memref<1x1x1000xf32, #tpu.memory_space<hbm>>
      %dma_wait3A_43 = tpu.memref_squeeze %dma_wait3A_42 : memref<1x1x1000xf32, #tpu.memory_space<hbm>> -> memref<1000xf32, #tpu.memory_space<hbm>>
      %dma_wait3A_44 = arith.constant 0 : i32
      %dma_wait3A_45 = tpu.memref_slice %arg3[%run_scoped3A, %add3A, %dma_wait3A_44] : memref<10x32x1000xf32, #tpu.memory_space<hbm>> -> memref<1x1x1000xf32, #tpu.memory_space<hbm>>
      %dma_wait3A_46 = tpu.memref_squeeze %dma_wait3A_45 : memref<1x1x1000xf32, #tpu.memory_space<hbm>> -> memref<1000xf32, #tpu.memory_space<hbm>>
      %dma_wait3A_47 = arith.constant 0 : i32
      %dma_wait3A_48 = tpu.memref_slice %arg5[%dma_wait3A_47] : memref<10000xf32, #tpu.memory_space<vmem>> -> memref<1000xf32, #tpu.memory_space<vmem>>
      tpu.wait_dma2 semaphore(%run_scoped3A_30 : memref<!tpu.dma_semaphore, #tpu.memory_space<semaphore_mem>>) src(%dma_wait3A_48 : memref<1000xf32, #tpu.memory_space<vmem>>) dst(%dma_wait3A_46 : memref<1000xf32, #tpu.memory_space<hbm>>)
      tpu.yield
    }) : () -> ()
    %run_scoped3A_21 = arith.constant 1 : i32
    "tpu.region"() ({
      %run_scoped3A_30 = tpu.sem_alloc : memref<!tpu.dma_semaphore, #tpu.memory_space<semaphore_mem>>
      %dma_start3A = arith.constant 1000 : i32
      %dma_start3A_31 = tpu.memref_slice %arg5[%dma_start3A] : memref<10000xf32, #tpu.memory_space<vmem>> -> memref<1000xf32, #tpu.memory_space<vmem>>
      %dma_start3A_32 = arith.constant 0 : i32
      %dma_start3A_33 = tpu.memref_slice %arg3[%run_scoped3A_21, %add3A, %dma_start3A_32] : memref<10x32x1000xf32, #tpu.memory_space<hbm>> -> memref<1x1x1000xf32, #tpu.memory_space<hbm>>
      %dma_start3A_34 = tpu.memref_squeeze %dma_start3A_33 : memref<1x1x1000xf32, #tpu.memory_space<hbm>> -> memref<1000xf32, #tpu.memory_space<hbm>>
      %dma_start3A_35 = arith.constant 0 : i32
      %dma_start3A_36 = tpu.memref_slice %arg3[%run_scoped3A_21, %add3A, %dma_start3A_35] : memref<10x32x1000xf32, #tpu.memory_space<hbm>> -> memref<1x1x1000xf32, #tpu.memory_space<hbm>>
      %dma_start3A_37 = tpu.memref_squeeze %dma_start3A_36 : memref<1x1x1000xf32, #tpu.memory_space<hbm>> -> memref<1000xf32, #tpu.memory_space<hbm>>
      %dma_start3A_38 = arith.constant 1000 : i32
      %dma_start3A_39 = tpu.memref_slice %arg5[%dma_start3A_38] : memref<10000xf32, #tpu.memory_space<vmem>> -> memref<1000xf32, #tpu.memory_space<vmem>>
      tpu.enqueue_dma source(%dma_start3A_39 : memref<1000xf32, #tpu.memory_space<vmem>>) target(%dma_start3A_37 : memref<1000xf32, #tpu.memory_space<hbm>>) target_semaphore(%run_scoped3A_30 : memref<!tpu.dma_semaphore, #tpu.memory_space<semaphore_mem>>)
      %dma_wait3A = arith.constant 1000 : i32
      %dma_wait3A_40 = tpu.memref_slice %arg5[%dma_wait3A] : memref<10000xf32, #tpu.memory_space<vmem>> -> memref<1000xf32, #tpu.memory_space<vmem>>
      %dma_wait3A_41 = arith.constant 0 : i32
      %dma_wait3A_42 = tpu.memref_slice %arg3[%run_scoped3A_21, %add3A, %dma_wait3A_41] : memref<10x32x1000xf32, #tpu.memory_space<hbm>> -> memref<1x1x1000xf32, #tpu.memory_space<hbm>>
      %dma_wait3A_43 = tpu.memref_squeeze %dma_wait3A_42 : memref<1x1x1000xf32, #tpu.memory_space<hbm>> -> memref<1000xf32, #tpu.memory_space<hbm>>
      %dma_wait3A_44 = arith.constant 0 : i32
      %dma_wait3A_45 = tpu.memref_slice %arg3[%run_scoped3A_21, %add3A, %dma_wait3A_44] : memref<10x32x1000xf32, #tpu.memory_space<hbm>> -> memref<1x1x1000xf32, #tpu.memory_space<hbm>>
      %dma_wait3A_46 = tpu.memref_squeeze %dma_wait3A_45 : memref<1x1x1000xf32, #tpu.memory_space<hbm>> -> memref<1000xf32, #tpu.memory_space<hbm>>
      %dma_wait3A_47 = arith.constant 1000 : i32
      %dma_wait3A_48 = tpu.memref_slice %arg5[%dma_wait3A_47] : memref<10000xf32, #tpu.memory_space<vmem>> -> memref<1000xf32, #tpu.memory_space<vmem>>
      tpu.wait_dma2 semaphore(%run_scoped3A_30 : memref<!tpu.dma_semaphore, #tpu.memory_space<semaphore_mem>>) src(%dma_wait3A_48 : memref<1000xf32, #tpu.memory_space<vmem>>) dst(%dma_wait3A_46 : memref<1000xf32, #tpu.memory_space<hbm>>)
      tpu.yield
    }) : () -> ()
    %run_scoped3A_22 = arith.constant 2 : i32
    "tpu.region"() ({
      %run_scoped3A_30 = tpu.sem_alloc : memref<!tpu.dma_semaphore, #tpu.memory_space<semaphore_mem>>
      %dma_start3A = arith.constant 2000 : i32
      %dma_start3A_31 = tpu.memref_slice %arg5[%dma_start3A] : memref<10000xf32, #tpu.memory_space<vmem>> -> memref<1000xf32, #tpu.memory_space<vmem>>
      %dma_start3A_32 = arith.constant 0 : i32
      %dma_start3A_33 = tpu.memref_slice %arg3[%run_scoped3A_22, %add3A, %dma_start3A_32] : memref<10x32x1000xf32, #tpu.memory_space<hbm>> -> memref<1x1x1000xf32, #tpu.memory_space<hbm>>
      %dma_start3A_34 = tpu.memref_squeeze %dma_start3A_33 : memref<1x1x1000xf32, #tpu.memory_space<hbm>> -> memref<1000xf32, #tpu.memory_space<hbm>>
      %dma_start3A_35 = arith.constant 0 : i32
      %dma_start3A_36 = tpu.memref_slice %arg3[%run_scoped3A_22, %add3A, %dma_start3A_35] : memref<10x32x1000xf32, #tpu.memory_space<hbm>> -> memref<1x1x1000xf32, #tpu.memory_space<hbm>>
      %dma_start3A_37 = tpu.memref_squeeze %dma_start3A_36 : memref<1x1x1000xf32, #tpu.memory_space<hbm>> -> memref<1000xf32, #tpu.memory_space<hbm>>
      %dma_start3A_38 = arith.constant 2000 : i32
      %dma_start3A_39 = tpu.memref_slice %arg5[%dma_start3A_38] : memref<10000xf32, #tpu.memory_space<vmem>> -> memref<1000xf32, #tpu.memory_space<vmem>>
      tpu.enqueue_dma source(%dma_start3A_39 : memref<1000xf32, #tpu.memory_space<vmem>>) target(%dma_start3A_37 : memref<1000xf32, #tpu.memory_space<hbm>>) target_semaphore(%run_scoped3A_30 : memref<!tpu.dma_semaphore, #tpu.memory_space<semaphore_mem>>)
      %dma_wait3A = arith.constant 2000 : i32
      %dma_wait3A_40 = tpu.memref_slice %arg5[%dma_wait3A] : memref<10000xf32, #tpu.memory_space<vmem>> -> memref<1000xf32, #tpu.memory_space<vmem>>
      %dma_wait3A_41 = arith.constant 0 : i32
      %dma_wait3A_42 = tpu.memref_slice %arg3[%run_scoped3A_22, %add3A, %dma_wait3A_41] : memref<10x32x1000xf32, #tpu.memory_space<hbm>> -> memref<1x1x1000xf32, #tpu.memory_space<hbm>>
      %dma_wait3A_43 = tpu.memref_squeeze %dma_wait3A_42 : memref<1x1x1000xf32, #tpu.memory_space<hbm>> -> memref<1000xf32, #tpu.memory_space<hbm>>
      %dma_wait3A_44 = arith.constant 0 : i32
      %dma_wait3A_45 = tpu.memref_slice %arg3[%run_scoped3A_22, %add3A, %dma_wait3A_44] : memref<10x32x1000xf32, #tpu.memory_space<hbm>> -> memref<1x1x1000xf32, #tpu.memory_space<hbm>>
      %dma_wait3A_46 = tpu.memref_squeeze %dma_wait3A_45 : memref<1x1x1000xf32, #tpu.memory_space<hbm>> -> memref<1000xf32, #tpu.memory_space<hbm>>
      %dma_wait3A_47 = arith.constant 2000 : i32
      %dma_wait3A_48 = tpu.memref_slice %arg5[%dma_wait3A_47] : memref<10000xf32, #tpu.memory_space<vmem>> -> memref<1000xf32, #tpu.memory_space<vmem>>
      tpu.wait_dma2 semaphore(%run_scoped3A_30 : memref<!tpu.dma_semaphore, #tpu.memory_space<semaphore_mem>>) src(%dma_wait3A_48 : memref<1000xf32, #tpu.memory_space<vmem>>) dst(%dma_wait3A_46 : memref<1000xf32, #tpu.memory_space<hbm>>)
      tpu.yield
    }) : () -> ()
    %run_scoped3A_23 = arith.constant 3 : i32
    "tpu.region"() ({
      %run_scoped3A_30 = tpu.sem_alloc : memref<!tpu.dma_semaphore, #tpu.memory_space<semaphore_mem>>
      %dma_start3A = arith.constant 3000 : i32
      %dma_start3A_31 = tpu.memref_slice %arg5[%dma_start3A] : memref<10000xf32, #tpu.memory_space<vmem>> -> memref<1000xf32, #tpu.memory_space<vmem>>
      %dma_start3A_32 = arith.constant 0 : i32
      %dma_start3A_33 = tpu.memref_slice %arg3[%run_scoped3A_23, %add3A, %dma_start3A_32] : memref<10x32x1000xf32, #tpu.memory_space<hbm>> -> memref<1x1x1000xf32, #tpu.memory_space<hbm>>
      %dma_start3A_34 = tpu.memref_squeeze %dma_start3A_33 : memref<1x1x1000xf32, #tpu.memory_space<hbm>> -> memref<1000xf32, #tpu.memory_space<hbm>>
      %dma_start3A_35 = arith.constant 0 : i32
      %dma_start3A_36 = tpu.memref_slice %arg3[%run_scoped3A_23, %add3A, %dma_start3A_35] : memref<10x32x1000xf32, #tpu.memory_space<hbm>> -> memref<1x1x1000xf32, #tpu.memory_space<hbm>>
      %dma_start3A_37 = tpu.memref_squeeze %dma_start3A_36 : memref<1x1x1000xf32, #tpu.memory_space<hbm>> -> memref<1000xf32, #tpu.memory_space<hbm>>
      %dma_start3A_38 = arith.constant 3000 : i32
      %dma_start3A_39 = tpu.memref_slice %arg5[%dma_start3A_38] : memref<10000xf32, #tpu.memory_space<vmem>> -> memref<1000xf32, #tpu.memory_space<vmem>>
      tpu.enqueue_dma source(%dma_start3A_39 : memref<1000xf32, #tpu.memory_space<vmem>>) target(%dma_start3A_37 : memref<1000xf32, #tpu.memory_space<hbm>>) target_semaphore(%run_scoped3A_30 : memref<!tpu.dma_semaphore, #tpu.memory_space<semaphore_mem>>)
      %dma_wait3A = arith.constant 3000 : i32
      %dma_wait3A_40 = tpu.memref_slice %arg5[%dma_wait3A] : memref<10000xf32, #tpu.memory_space<vmem>> -> memref<1000xf32, #tpu.memory_space<vmem>>
      %dma_wait3A_41 = arith.constant 0 : i32
      %dma_wait3A_42 = tpu.memref_slice %arg3[%run_scoped3A_23, %add3A, %dma_wait3A_41] : memref<10x32x1000xf32, #tpu.memory_space<hbm>> -> memref<1x1x1000xf32, #tpu.memory_space<hbm>>
      %dma_wait3A_43 = tpu.memref_squeeze %dma_wait3A_42 : memref<1x1x1000xf32, #tpu.memory_space<hbm>> -> memref<1000xf32, #tpu.memory_space<hbm>>
      %dma_wait3A_44 = arith.constant 0 : i32
      %dma_wait3A_45 = tpu.memref_slice %arg3[%run_scoped3A_23, %add3A, %dma_wait3A_44] : memref<10x32x1000xf32, #tpu.memory_space<hbm>> -> memref<1x1x1000xf32, #tpu.memory_space<hbm>>
      %dma_wait3A_46 = tpu.memref_squeeze %dma_wait3A_45 : memref<1x1x1000xf32, #tpu.memory_space<hbm>> -> memref<1000xf32, #tpu.memory_space<hbm>>
      %dma_wait3A_47 = arith.constant 3000 : i32
      %dma_wait3A_48 = tpu.memref_slice %arg5[%dma_wait3A_47] : memref<10000xf32, #tpu.memory_space<vmem>> -> memref<1000xf32, #tpu.memory_space<vmem>>
      tpu.wait_dma2 semaphore(%run_scoped3A_30 : memref<!tpu.dma_semaphore, #tpu.memory_space<semaphore_mem>>) src(%dma_wait3A_48 : memref<1000xf32, #tpu.memory_space<vmem>>) dst(%dma_wait3A_46 : memref<1000xf32, #tpu.memory_space<hbm>>)
      tpu.yield
    }) : () -> ()
    %run_scoped3A_24 = arith.constant 4 : i32
    "tpu.region"() ({
      %run_scoped3A_30 = tpu.sem_alloc : memref<!tpu.dma_semaphore, #tpu.memory_space<semaphore_mem>>
      %dma_start3A = arith.constant 4000 : i32
      %dma_start3A_31 = tpu.memref_slice %arg5[%dma_start3A] : memref<10000xf32, #tpu.memory_space<vmem>> -> memref<1000xf32, #tpu.memory_space<vmem>>
      %dma_start3A_32 = arith.constant 0 : i32
      %dma_start3A_33 = tpu.memref_slice %arg3[%run_scoped3A_24, %add3A, %dma_start3A_32] : memref<10x32x1000xf32, #tpu.memory_space<hbm>> -> memref<1x1x1000xf32, #tpu.memory_space<hbm>>
      %dma_start3A_34 = tpu.memref_squeeze %dma_start3A_33 : memref<1x1x1000xf32, #tpu.memory_space<hbm>> -> memref<1000xf32, #tpu.memory_space<hbm>>
      %dma_start3A_35 = arith.constant 0 : i32
      %dma_start3A_36 = tpu.memref_slice %arg3[%run_scoped3A_24, %add3A, %dma_start3A_35] : memref<10x32x1000xf32, #tpu.memory_space<hbm>> -> memref<1x1x1000xf32, #tpu.memory_space<hbm>>
      %dma_start3A_37 = tpu.memref_squeeze %dma_start3A_36 : memref<1x1x1000xf32, #tpu.memory_space<hbm>> -> memref<1000xf32, #tpu.memory_space<hbm>>
      %dma_start3A_38 = arith.constant 4000 : i32
      %dma_start3A_39 = tpu.memref_slice %arg5[%dma_start3A_38] : memref<10000xf32, #tpu.memory_space<vmem>> -> memref<1000xf32, #tpu.memory_space<vmem>>
      tpu.enqueue_dma source(%dma_start3A_39 : memref<1000xf32, #tpu.memory_space<vmem>>) target(%dma_start3A_37 : memref<1000xf32, #tpu.memory_space<hbm>>) target_semaphore(%run_scoped3A_30 : memref<!tpu.dma_semaphore, #tpu.memory_space<semaphore_mem>>)
      %dma_wait3A = arith.constant 4000 : i32
      %dma_wait3A_40 = tpu.memref_slice %arg5[%dma_wait3A] : memref<10000xf32, #tpu.memory_space<vmem>> -> memref<1000xf32, #tpu.memory_space<vmem>>
      %dma_wait3A_41 = arith.constant 0 : i32
      %dma_wait3A_42 = tpu.memref_slice %arg3[%run_scoped3A_24, %add3A, %dma_wait3A_41] : memref<10x32x1000xf32, #tpu.memory_space<hbm>> -> memref<1x1x1000xf32, #tpu.memory_space<hbm>>
      %dma_wait3A_43 = tpu.memref_squeeze %dma_wait3A_42 : memref<1x1x1000xf32, #tpu.memory_space<hbm>> -> memref<1000xf32, #tpu.memory_space<hbm>>
      %dma_wait3A_44 = arith.constant 0 : i32
      %dma_wait3A_45 = tpu.memref_slice %arg3[%run_scoped3A_24, %add3A, %dma_wait3A_44] : memref<10x32x1000xf32, #tpu.memory_space<hbm>> -> memref<1x1x1000xf32, #tpu.memory_space<hbm>>
      %dma_wait3A_46 = tpu.memref_squeeze %dma_wait3A_45 : memref<1x1x1000xf32, #tpu.memory_space<hbm>> -> memref<1000xf32, #tpu.memory_space<hbm>>
      %dma_wait3A_47 = arith.constant 4000 : i32
      %dma_wait3A_48 = tpu.memref_slice %arg5[%dma_wait3A_47] : memref<10000xf32, #tpu.memory_space<vmem>> -> memref<1000xf32, #tpu.memory_space<vmem>>
      tpu.wait_dma2 semaphore(%run_scoped3A_30 : memref<!tpu.dma_semaphore, #tpu.memory_space<semaphore_mem>>) src(%dma_wait3A_48 : memref<1000xf32, #tpu.memory_space<vmem>>) dst(%dma_wait3A_46 : memref<1000xf32, #tpu.memory_space<hbm>>)
      tpu.yield
    }) : () -> ()
    %run_scoped3A_25 = arith.constant 5 : i32
    "tpu.region"() ({
      %run_scoped3A_30 = tpu.sem_alloc : memref<!tpu.dma_semaphore, #tpu.memory_space<semaphore_mem>>
      %dma_start3A = arith.constant 5000 : i32
      %dma_start3A_31 = tpu.memref_slice %arg5[%dma_start3A] : memref<10000xf32, #tpu.memory_space<vmem>> -> memref<1000xf32, #tpu.memory_space<vmem>>
      %dma_start3A_32 = arith.constant 0 : i32
      %dma_start3A_33 = tpu.memref_slice %arg3[%run_scoped3A_25, %add3A, %dma_start3A_32] : memref<10x32x1000xf32, #tpu.memory_space<hbm>> -> memref<1x1x1000xf32, #tpu.memory_space<hbm>>
      %dma_start3A_34 = tpu.memref_squeeze %dma_start3A_33 : memref<1x1x1000xf32, #tpu.memory_space<hbm>> -> memref<1000xf32, #tpu.memory_space<hbm>>
      %dma_start3A_35 = arith.constant 0 : i32
      %dma_start3A_36 = tpu.memref_slice %arg3[%run_scoped3A_25, %add3A, %dma_start3A_35] : memref<10x32x1000xf32, #tpu.memory_space<hbm>> -> memref<1x1x1000xf32, #tpu.memory_space<hbm>>
      %dma_start3A_37 = tpu.memref_squeeze %dma_start3A_36 : memref<1x1x1000xf32, #tpu.memory_space<hbm>> -> memref<1000xf32, #tpu.memory_space<hbm>>
      %dma_start3A_38 = arith.constant 5000 : i32
      %dma_start3A_39 = tpu.memref_slice %arg5[%dma_start3A_38] : memref<10000xf32, #tpu.memory_space<vmem>> -> memref<1000xf32, #tpu.memory_space<vmem>>
      tpu.enqueue_dma source(%dma_start3A_39 : memref<1000xf32, #tpu.memory_space<vmem>>) target(%dma_start3A_37 : memref<1000xf32, #tpu.memory_space<hbm>>) target_semaphore(%run_scoped3A_30 : memref<!tpu.dma_semaphore, #tpu.memory_space<semaphore_mem>>)
      %dma_wait3A = arith.constant 5000 : i32
      %dma_wait3A_40 = tpu.memref_slice %arg5[%dma_wait3A] : memref<10000xf32, #tpu.memory_space<vmem>> -> memref<1000xf32, #tpu.memory_space<vmem>>
      %dma_wait3A_41 = arith.constant 0 : i32
      %dma_wait3A_42 = tpu.memref_slice %arg3[%run_scoped3A_25, %add3A, %dma_wait3A_41] : memref<10x32x1000xf32, #tpu.memory_space<hbm>> -> memref<1x1x1000xf32, #tpu.memory_space<hbm>>
      %dma_wait3A_43 = tpu.memref_squeeze %dma_wait3A_42 : memref<1x1x1000xf32, #tpu.memory_space<hbm>> -> memref<1000xf32, #tpu.memory_space<hbm>>
      %dma_wait3A_44 = arith.constant 0 : i32
      %dma_wait3A_45 = tpu.memref_slice %arg3[%run_scoped3A_25, %add3A, %dma_wait3A_44] : memref<10x32x1000xf32, #tpu.memory_space<hbm>> -> memref<1x1x1000xf32, #tpu.memory_space<hbm>>
      %dma_wait3A_46 = tpu.memref_squeeze %dma_wait3A_45 : memref<1x1x1000xf32, #tpu.memory_space<hbm>> -> memref<1000xf32, #tpu.memory_space<hbm>>
      %dma_wait3A_47 = arith.constant 5000 : i32
      %dma_wait3A_48 = tpu.memref_slice %arg5[%dma_wait3A_47] : memref<10000xf32, #tpu.memory_space<vmem>> -> memref<1000xf32, #tpu.memory_space<vmem>>
      tpu.wait_dma2 semaphore(%run_scoped3A_30 : memref<!tpu.dma_semaphore, #tpu.memory_space<semaphore_mem>>) src(%dma_wait3A_48 : memref<1000xf32, #tpu.memory_space<vmem>>) dst(%dma_wait3A_46 : memref<1000xf32, #tpu.memory_space<hbm>>)
      tpu.yield
    }) : () -> ()
    %run_scoped3A_26 = arith.constant 6 : i32
    "tpu.region"() ({
      %run_scoped3A_30 = tpu.sem_alloc : memref<!tpu.dma_semaphore, #tpu.memory_space<semaphore_mem>>
      %dma_start3A = arith.constant 6000 : i32
      %dma_start3A_31 = tpu.memref_slice %arg5[%dma_start3A] : memref<10000xf32, #tpu.memory_space<vmem>> -> memref<1000xf32, #tpu.memory_space<vmem>>
      %dma_start3A_32 = arith.constant 0 : i32
      %dma_start3A_33 = tpu.memref_slice %arg3[%run_scoped3A_26, %add3A, %dma_start3A_32] : memref<10x32x1000xf32, #tpu.memory_space<hbm>> -> memref<1x1x1000xf32, #tpu.memory_space<hbm>>
      %dma_start3A_34 = tpu.memref_squeeze %dma_start3A_33 : memref<1x1x1000xf32, #tpu.memory_space<hbm>> -> memref<1000xf32, #tpu.memory_space<hbm>>
      %dma_start3A_35 = arith.constant 0 : i32
      %dma_start3A_36 = tpu.memref_slice %arg3[%run_scoped3A_26, %add3A, %dma_start3A_35] : memref<10x32x1000xf32, #tpu.memory_space<hbm>> -> memref<1x1x1000xf32, #tpu.memory_space<hbm>>
      %dma_start3A_37 = tpu.memref_squeeze %dma_start3A_36 : memref<1x1x1000xf32, #tpu.memory_space<hbm>> -> memref<1000xf32, #tpu.memory_space<hbm>>
      %dma_start3A_38 = arith.constant 6000 : i32
      %dma_start3A_39 = tpu.memref_slice %arg5[%dma_start3A_38] : memref<10000xf32, #tpu.memory_space<vmem>> -> memref<1000xf32, #tpu.memory_space<vmem>>
      tpu.enqueue_dma source(%dma_start3A_39 : memref<1000xf32, #tpu.memory_space<vmem>>) target(%dma_start3A_37 : memref<1000xf32, #tpu.memory_space<hbm>>) target_semaphore(%run_scoped3A_30 : memref<!tpu.dma_semaphore, #tpu.memory_space<semaphore_mem>>)
      %dma_wait3A = arith.constant 6000 : i32
      %dma_wait3A_40 = tpu.memref_slice %arg5[%dma_wait3A] : memref<10000xf32, #tpu.memory_space<vmem>> -> memref<1000xf32, #tpu.memory_space<vmem>>
      %dma_wait3A_41 = arith.constant 0 : i32
      %dma_wait3A_42 = tpu.memref_slice %arg3[%run_scoped3A_26, %add3A, %dma_wait3A_41] : memref<10x32x1000xf32, #tpu.memory_space<hbm>> -> memref<1x1x1000xf32, #tpu.memory_space<hbm>>
      %dma_wait3A_43 = tpu.memref_squeeze %dma_wait3A_42 : memref<1x1x1000xf32, #tpu.memory_space<hbm>> -> memref<1000xf32, #tpu.memory_space<hbm>>
      %dma_wait3A_44 = arith.constant 0 : i32
      %dma_wait3A_45 = tpu.memref_slice %arg3[%run_scoped3A_26, %add3A, %dma_wait3A_44] : memref<10x32x1000xf32, #tpu.memory_space<hbm>> -> memref<1x1x1000xf32, #tpu.memory_space<hbm>>
      %dma_wait3A_46 = tpu.memref_squeeze %dma_wait3A_45 : memref<1x1x1000xf32, #tpu.memory_space<hbm>> -> memref<1000xf32, #tpu.memory_space<hbm>>
      %dma_wait3A_47 = arith.constant 6000 : i32
      %dma_wait3A_48 = tpu.memref_slice %arg5[%dma_wait3A_47] : memref<10000xf32, #tpu.memory_space<vmem>> -> memref<1000xf32, #tpu.memory_space<vmem>>
      tpu.wait_dma2 semaphore(%run_scoped3A_30 : memref<!tpu.dma_semaphore, #tpu.memory_space<semaphore_mem>>) src(%dma_wait3A_48 : memref<1000xf32, #tpu.memory_space<vmem>>) dst(%dma_wait3A_46 : memref<1000xf32, #tpu.memory_space<hbm>>)
      tpu.yield
    }) : () -> ()
    %run_scoped3A_27 = arith.constant 7 : i32
    "tpu.region"() ({
      %run_scoped3A_30 = tpu.sem_alloc : memref<!tpu.dma_semaphore, #tpu.memory_space<semaphore_mem>>
      %dma_start3A = arith.constant 7000 : i32
      %dma_start3A_31 = tpu.memref_slice %arg5[%dma_start3A] : memref<10000xf32, #tpu.memory_space<vmem>> -> memref<1000xf32, #tpu.memory_space<vmem>>
      %dma_start3A_32 = arith.constant 0 : i32
      %dma_start3A_33 = tpu.memref_slice %arg3[%run_scoped3A_27, %add3A, %dma_start3A_32] : memref<10x32x1000xf32, #tpu.memory_space<hbm>> -> memref<1x1x1000xf32, #tpu.memory_space<hbm>>
      %dma_start3A_34 = tpu.memref_squeeze %dma_start3A_33 : memref<1x1x1000xf32, #tpu.memory_space<hbm>> -> memref<1000xf32, #tpu.memory_space<hbm>>
      %dma_start3A_35 = arith.constant 0 : i32
      %dma_start3A_36 = tpu.memref_slice %arg3[%run_scoped3A_27, %add3A, %dma_start3A_35] : memref<10x32x1000xf32, #tpu.memory_space<hbm>> -> memref<1x1x1000xf32, #tpu.memory_space<hbm>>
      %dma_start3A_37 = tpu.memref_squeeze %dma_start3A_36 : memref<1x1x1000xf32, #tpu.memory_space<hbm>> -> memref<1000xf32, #tpu.memory_space<hbm>>
      %dma_start3A_38 = arith.constant 7000 : i32
      %dma_start3A_39 = tpu.memref_slice %arg5[%dma_start3A_38] : memref<10000xf32, #tpu.memory_space<vmem>> -> memref<1000xf32, #tpu.memory_space<vmem>>
      tpu.enqueue_dma source(%dma_start3A_39 : memref<1000xf32, #tpu.memory_space<vmem>>) target(%dma_start3A_37 : memref<1000xf32, #tpu.memory_space<hbm>>) target_semaphore(%run_scoped3A_30 : memref<!tpu.dma_semaphore, #tpu.memory_space<semaphore_mem>>)
      %dma_wait3A = arith.constant 7000 : i32
      %dma_wait3A_40 = tpu.memref_slice %arg5[%dma_wait3A] : memref<10000xf32, #tpu.memory_space<vmem>> -> memref<1000xf32, #tpu.memory_space<vmem>>
      %dma_wait3A_41 = arith.constant 0 : i32
      %dma_wait3A_42 = tpu.memref_slice %arg3[%run_scoped3A_27, %add3A, %dma_wait3A_41] : memref<10x32x1000xf32, #tpu.memory_space<hbm>> -> memref<1x1x1000xf32, #tpu.memory_space<hbm>>
      %dma_wait3A_43 = tpu.memref_squeeze %dma_wait3A_42 : memref<1x1x1000xf32, #tpu.memory_space<hbm>> -> memref<1000xf32, #tpu.memory_space<hbm>>
      %dma_wait3A_44 = arith.constant 0 : i32
      %dma_wait3A_45 = tpu.memref_slice %arg3[%run_scoped3A_27, %add3A, %dma_wait3A_44] : memref<10x32x1000xf32, #tpu.memory_space<hbm>> -> memref<1x1x1000xf32, #tpu.memory_space<hbm>>
      %dma_wait3A_46 = tpu.memref_squeeze %dma_wait3A_45 : memref<1x1x1000xf32, #tpu.memory_space<hbm>> -> memref<1000xf32, #tpu.memory_space<hbm>>
      %dma_wait3A_47 = arith.constant 7000 : i32
      %dma_wait3A_48 = tpu.memref_slice %arg5[%dma_wait3A_47] : memref<10000xf32, #tpu.memory_space<vmem>> -> memref<1000xf32, #tpu.memory_space<vmem>>
      tpu.wait_dma2 semaphore(%run_scoped3A_30 : memref<!tpu.dma_semaphore, #tpu.memory_space<semaphore_mem>>) src(%dma_wait3A_48 : memref<1000xf32, #tpu.memory_space<vmem>>) dst(%dma_wait3A_46 : memref<1000xf32, #tpu.memory_space<hbm>>)
      tpu.yield
    }) : () -> ()
    %run_scoped3A_28 = arith.constant 8 : i32
    "tpu.region"() ({
      %run_scoped3A_30 = tpu.sem_alloc : memref<!tpu.dma_semaphore, #tpu.memory_space<semaphore_mem>>
      %dma_start3A = arith.constant 8000 : i32
      %dma_start3A_31 = tpu.memref_slice %arg5[%dma_start3A] : memref<10000xf32, #tpu.memory_space<vmem>> -> memref<1000xf32, #tpu.memory_space<vmem>>
      %dma_start3A_32 = arith.constant 0 : i32
      %dma_start3A_33 = tpu.memref_slice %arg3[%run_scoped3A_28, %add3A, %dma_start3A_32] : memref<10x32x1000xf32, #tpu.memory_space<hbm>> -> memref<1x1x1000xf32, #tpu.memory_space<hbm>>
      %dma_start3A_34 = tpu.memref_squeeze %dma_start3A_33 : memref<1x1x1000xf32, #tpu.memory_space<hbm>> -> memref<1000xf32, #tpu.memory_space<hbm>>
      %dma_start3A_35 = arith.constant 0 : i32
      %dma_start3A_36 = tpu.memref_slice %arg3[%run_scoped3A_28, %add3A, %dma_start3A_35] : memref<10x32x1000xf32, #tpu.memory_space<hbm>> -> memref<1x1x1000xf32, #tpu.memory_space<hbm>>
      %dma_start3A_37 = tpu.memref_squeeze %dma_start3A_36 : memref<1x1x1000xf32, #tpu.memory_space<hbm>> -> memref<1000xf32, #tpu.memory_space<hbm>>
      %dma_start3A_38 = arith.constant 8000 : i32
      %dma_start3A_39 = tpu.memref_slice %arg5[%dma_start3A_38] : memref<10000xf32, #tpu.memory_space<vmem>> -> memref<1000xf32, #tpu.memory_space<vmem>>
      tpu.enqueue_dma source(%dma_start3A_39 : memref<1000xf32, #tpu.memory_space<vmem>>) target(%dma_start3A_37 : memref<1000xf32, #tpu.memory_space<hbm>>) target_semaphore(%run_scoped3A_30 : memref<!tpu.dma_semaphore, #tpu.memory_space<semaphore_mem>>)
      %dma_wait3A = arith.constant 8000 : i32
      %dma_wait3A_40 = tpu.memref_slice %arg5[%dma_wait3A] : memref<10000xf32, #tpu.memory_space<vmem>> -> memref<1000xf32, #tpu.memory_space<vmem>>
      %dma_wait3A_41 = arith.constant 0 : i32
      %dma_wait3A_42 = tpu.memref_slice %arg3[%run_scoped3A_28, %add3A, %dma_wait3A_41] : memref<10x32x1000xf32, #tpu.memory_space<hbm>> -> memref<1x1x1000xf32, #tpu.memory_space<hbm>>
      %dma_wait3A_43 = tpu.memref_squeeze %dma_wait3A_42 : memref<1x1x1000xf32, #tpu.memory_space<hbm>> -> memref<1000xf32, #tpu.memory_space<hbm>>
      %dma_wait3A_44 = arith.constant 0 : i32
      %dma_wait3A_45 = tpu.memref_slice %arg3[%run_scoped3A_28, %add3A, %dma_wait3A_44] : memref<10x32x1000xf32, #tpu.memory_space<hbm>> -> memref<1x1x1000xf32, #tpu.memory_space<hbm>>
      %dma_wait3A_46 = tpu.memref_squeeze %dma_wait3A_45 : memref<1x1x1000xf32, #tpu.memory_space<hbm>> -> memref<1000xf32, #tpu.memory_space<hbm>>
      %dma_wait3A_47 = arith.constant 8000 : i32
      %dma_wait3A_48 = tpu.memref_slice %arg5[%dma_wait3A_47] : memref<10000xf32, #tpu.memory_space<vmem>> -> memref<1000xf32, #tpu.memory_space<vmem>>
      tpu.wait_dma2 semaphore(%run_scoped3A_30 : memref<!tpu.dma_semaphore, #tpu.memory_space<semaphore_mem>>) src(%dma_wait3A_48 : memref<1000xf32, #tpu.memory_space<vmem>>) dst(%dma_wait3A_46 : memref<1000xf32, #tpu.memory_space<hbm>>)
      tpu.yield
    }) : () -> ()
    %run_scoped3A_29 = arith.constant 9 : i32
    "tpu.region"() ({
      %run_scoped3A_30 = tpu.sem_alloc : memref<!tpu.dma_semaphore, #tpu.memory_space<semaphore_mem>>
      %dma_start3A = arith.constant 9000 : i32
      %dma_start3A_31 = tpu.memref_slice %arg5[%dma_start3A] : memref<10000xf32, #tpu.memory_space<vmem>> -> memref<1000xf32, #tpu.memory_space<vmem>>
      %dma_start3A_32 = arith.constant 0 : i32
      %dma_start3A_33 = tpu.memref_slice %arg3[%run_scoped3A_29, %add3A, %dma_start3A_32] : memref<10x32x1000xf32, #tpu.memory_space<hbm>> -> memref<1x1x1000xf32, #tpu.memory_space<hbm>>
      %dma_start3A_34 = tpu.memref_squeeze %dma_start3A_33 : memref<1x1x1000xf32, #tpu.memory_space<hbm>> -> memref<1000xf32, #tpu.memory_space<hbm>>
      %dma_start3A_35 = arith.constant 0 : i32
      %dma_start3A_36 = tpu.memref_slice %arg3[%run_scoped3A_29, %add3A, %dma_start3A_35] : memref<10x32x1000xf32, #tpu.memory_space<hbm>> -> memref<1x1x1000xf32, #tpu.memory_space<hbm>>
      %dma_start3A_37 = tpu.memref_squeeze %dma_start3A_36 : memref<1x1x1000xf32, #tpu.memory_space<hbm>> -> memref<1000xf32, #tpu.memory_space<hbm>>
      %dma_start3A_38 = arith.constant 9000 : i32
      %dma_start3A_39 = tpu.memref_slice %arg5[%dma_start3A_38] : memref<10000xf32, #tpu.memory_space<vmem>> -> memref<1000xf32, #tpu.memory_space<vmem>>
      tpu.enqueue_dma source(%dma_start3A_39 : memref<1000xf32, #tpu.memory_space<vmem>>) target(%dma_start3A_37 : memref<1000xf32, #tpu.memory_space<hbm>>) target_semaphore(%run_scoped3A_30 : memref<!tpu.dma_semaphore, #tpu.memory_space<semaphore_mem>>)
      %dma_wait3A = arith.constant 9000 : i32
      %dma_wait3A_40 = tpu.memref_slice %arg5[%dma_wait3A] : memref<10000xf32, #tpu.memory_space<vmem>> -> memref<1000xf32, #tpu.memory_space<vmem>>
      %dma_wait3A_41 = arith.constant 0 : i32
      %dma_wait3A_42 = tpu.memref_slice %arg3[%run_scoped3A_29, %add3A, %dma_wait3A_41] : memref<10x32x1000xf32, #tpu.memory_space<hbm>> -> memref<1x1x1000xf32, #tpu.memory_space<hbm>>
      %dma_wait3A_43 = tpu.memref_squeeze %dma_wait3A_42 : memref<1x1x1000xf32, #tpu.memory_space<hbm>> -> memref<1000xf32, #tpu.memory_space<hbm>>
      %dma_wait3A_44 = arith.constant 0 : i32
      %dma_wait3A_45 = tpu.memref_slice %arg3[%run_scoped3A_29, %add3A, %dma_wait3A_44] : memref<10x32x1000xf32, #tpu.memory_space<hbm>> -> memref<1x1x1000xf32, #tpu.memory_space<hbm>>
      %dma_wait3A_46 = tpu.memref_squeeze %dma_wait3A_45 : memref<1x1x1000xf32, #tpu.memory_space<hbm>> -> memref<1000xf32, #tpu.memory_space<hbm>>
      %dma_wait3A_47 = arith.constant 9000 : i32
      %dma_wait3A_48 = tpu.memref_slice %arg5[%dma_wait3A_47] : memref<10000xf32, #tpu.memory_space<vmem>> -> memref<1000xf32, #tpu.memory_space<vmem>>
      tpu.wait_dma2 semaphore(%run_scoped3A_30 : memref<!tpu.dma_semaphore, #tpu.memory_space<semaphore_mem>>) src(%dma_wait3A_48 : memref<1000xf32, #tpu.memory_space<vmem>>) dst(%dma_wait3A_46 : memref<1000xf32, #tpu.memory_space<hbm>>)
      tpu.yield
    }) : () -> ()
    return
  }
}

#map = affine_map<(d0, d1) -> (0, 0, 0)>
#map1 = affine_map<(d0, d1) -> (0)>
module attributes {stable_mosaic.version = 14 : i64} {
  func.func @scatter(%arg0: i32, %arg1: i32, %arg2: memref<2x10000x128xf32, #tpu.memory_space<hbm>>, %arg3: memref<160000xi32, #tpu.memory_space<hbm>>, %arg4: memref<160000xi32, #tpu.memory_space<hbm>>, %arg5: memref<2x10000x128xf32, #tpu.memory_space<hbm>>, %arg6: memref<125x128xf32, #tpu.memory_space<vmem>>, %arg7: memref<80xi32, #tpu.memory_space<vmem>>, %arg8: memref<80xi32, #tpu.memory_space<vmem>>, %arg9: memref<80x128xf32, #tpu.memory_space<vmem>>, %arg10: memref<10000x128xf32, #tpu.memory_space<vmem_shared>>, %arg11: memref<!tpu.dma_semaphore, #tpu.memory_space<semaphore_mem>>) attributes {dimension_semantics = [#tpu.dimension_semantics<core_parallel>, #tpu.dimension_semantics<subcore_parallel>], iteration_bounds = array<i64: 2, 16>, scalar_prefetch = 0 : i64, scratch_operands = 6 : i64, tpu.core_type = #tpu.core_type<sc_vector_subcore>, window_params = [{transform_indices = #map}, {transform_indices = #map1}, {transform_indices = #map1}, {transform_indices = #map}]} {
    %mul3A = arith.constant 625 : i32
    %mul3A_0 = arith.muli %arg1, %mul3A : i32
    %scan3A = arith.constant 0 : i32
    %scan3A_1 = arith.constant 0 : i32
    %scan3A_2 = arith.constant 5 : i32
    %scan3A_3 = arith.addi %scan3A_1, %scan3A_2 : i32
    %scan3A_4 = arith.constant 1 : i32
    scf.for %scan3A_19 = %scan3A_1 to %scan3A_3 step %scan3A_4  : i32 {
      %mul3A_20 = arith.constant 125 : i32
      %mul3A_21 = arith.muli %scan3A_19, %mul3A_20 : i32
      %add3A = arith.addi %mul3A_0, %mul3A_21 : i32
      "tpu.region"() ({
        %run_scoped3A = tpu.sem_alloc : memref<!tpu.dma_semaphore, #tpu.memory_space<semaphore_mem>>
        %dma_start3A = arith.constant 0 : i32
        %dma_start3A_22 = arith.constant 0 : i32
        %dma_start3A_23 = tpu.memref_slice %arg2[%arg0, %dma_start3A, %dma_start3A_22] : memref<2x10000x128xf32, #tpu.memory_space<hbm>> -> memref<1x10000x128xf32, #tpu.memory_space<hbm>>
        %dma_start3A_24 = tpu.memref_squeeze %dma_start3A_23 : memref<1x10000x128xf32, #tpu.memory_space<hbm>> -> memref<10000x128xf32, #tpu.memory_space<hbm>>
        %dma_start3A_25 = arith.constant 0 : i32
        %dma_start3A_26 = tpu.memref_slice %dma_start3A_24[%add3A, %dma_start3A_25] : memref<10000x128xf32, #tpu.memory_space<hbm>> -> memref<125x128xf32, #tpu.memory_space<hbm>>
        %dma_start3A_27 = arith.constant 0 : i32
        %dma_start3A_28 = arith.constant 0 : i32
        %dma_start3A_29 = tpu.memref_slice %arg2[%arg0, %dma_start3A_27, %dma_start3A_28] : memref<2x10000x128xf32, #tpu.memory_space<hbm>> -> memref<1x10000x128xf32, #tpu.memory_space<hbm>>
        %dma_start3A_30 = tpu.memref_squeeze %dma_start3A_29 : memref<1x10000x128xf32, #tpu.memory_space<hbm>> -> memref<10000x128xf32, #tpu.memory_space<hbm>>
        %dma_start3A_31 = arith.constant 0 : i32
        %dma_start3A_32 = tpu.memref_slice %dma_start3A_30[%add3A, %dma_start3A_31] : memref<10000x128xf32, #tpu.memory_space<hbm>> -> memref<125x128xf32, #tpu.memory_space<hbm>>
        tpu.enqueue_dma source(%dma_start3A_32 : memref<125x128xf32, #tpu.memory_space<hbm>>) target(%arg6 : memref<125x128xf32, #tpu.memory_space<vmem>>) target_semaphore(%run_scoped3A : memref<!tpu.dma_semaphore, #tpu.memory_space<semaphore_mem>>)
        %dma_wait3A = arith.constant 0 : i32
        %dma_wait3A_33 = arith.constant 0 : i32
        %dma_wait3A_34 = tpu.memref_slice %arg2[%arg0, %dma_wait3A, %dma_wait3A_33] : memref<2x10000x128xf32, #tpu.memory_space<hbm>> -> memref<1x10000x128xf32, #tpu.memory_space<hbm>>
        %dma_wait3A_35 = tpu.memref_squeeze %dma_wait3A_34 : memref<1x10000x128xf32, #tpu.memory_space<hbm>> -> memref<10000x128xf32, #tpu.memory_space<hbm>>
        %dma_wait3A_36 = arith.constant 0 : i32
        %dma_wait3A_37 = tpu.memref_slice %dma_wait3A_35[%add3A, %dma_wait3A_36] : memref<10000x128xf32, #tpu.memory_space<hbm>> -> memref<125x128xf32, #tpu.memory_space<hbm>>
        %dma_wait3A_38 = arith.constant 0 : i32
        %dma_wait3A_39 = arith.constant 0 : i32
        %dma_wait3A_40 = tpu.memref_slice %arg2[%arg0, %dma_wait3A_38, %dma_wait3A_39] : memref<2x10000x128xf32, #tpu.memory_space<hbm>> -> memref<1x10000x128xf32, #tpu.memory_space<hbm>>
        %dma_wait3A_41 = tpu.memref_squeeze %dma_wait3A_40 : memref<1x10000x128xf32, #tpu.memory_space<hbm>> -> memref<10000x128xf32, #tpu.memory_space<hbm>>
        %dma_wait3A_42 = arith.constant 0 : i32
        %dma_wait3A_43 = tpu.memref_slice %dma_wait3A_41[%add3A, %dma_wait3A_42] : memref<10000x128xf32, #tpu.memory_space<hbm>> -> memref<125x128xf32, #tpu.memory_space<hbm>>
        tpu.wait_dma2 semaphore(%run_scoped3A : memref<!tpu.dma_semaphore, #tpu.memory_space<semaphore_mem>>) src(%dma_wait3A_43 : memref<125x128xf32, #tpu.memory_space<hbm>>) dst(%arg6 : memref<125x128xf32, #tpu.memory_space<vmem>>)
        tpu.yield
      }) : () -> ()
      "tpu.region"() ({
        %run_scoped3A = tpu.sem_alloc : memref<!tpu.dma_semaphore, #tpu.memory_space<semaphore_mem>>
        %dma_start3A = arith.constant 0 : i32
        %dma_start3A_22 = tpu.memref_slice %arg10[%add3A, %dma_start3A] : memref<10000x128xf32, #tpu.memory_space<vmem_shared>> -> memref<125x128xf32, #tpu.memory_space<vmem_shared>>
        %dma_start3A_23 = arith.constant 0 : i32
        %dma_start3A_24 = tpu.memref_slice %arg10[%add3A, %dma_start3A_23] : memref<10000x128xf32, #tpu.memory_space<vmem_shared>> -> memref<125x128xf32, #tpu.memory_space<vmem_shared>>
        tpu.enqueue_dma source(%arg6 : memref<125x128xf32, #tpu.memory_space<vmem>>) target(%dma_start3A_24 : memref<125x128xf32, #tpu.memory_space<vmem_shared>>) target_semaphore(%run_scoped3A : memref<!tpu.dma_semaphore, #tpu.memory_space<semaphore_mem>>)
        %dma_wait3A = arith.constant 0 : i32
        %dma_wait3A_25 = tpu.memref_slice %arg10[%add3A, %dma_wait3A] : memref<10000x128xf32, #tpu.memory_space<vmem_shared>> -> memref<125x128xf32, #tpu.memory_space<vmem_shared>>
        %dma_wait3A_26 = arith.constant 0 : i32
        %dma_wait3A_27 = tpu.memref_slice %arg10[%add3A, %dma_wait3A_26] : memref<10000x128xf32, #tpu.memory_space<vmem_shared>> -> memref<125x128xf32, #tpu.memory_space<vmem_shared>>
        tpu.wait_dma2 semaphore(%run_scoped3A : memref<!tpu.dma_semaphore, #tpu.memory_space<semaphore_mem>>) src(%arg6 : memref<125x128xf32, #tpu.memory_space<vmem>>) dst(%dma_wait3A_27 : memref<125x128xf32, #tpu.memory_space<vmem_shared>>)
        tpu.yield
      }) : () -> ()
    }
    %scan3A_5 = arith.constant 5 : i32
    %barrier3A = arith.constant 0 : index
    tpu.barrier barrier_id(%barrier3A)
    %scan3A_6 = arith.constant 0 : i32
    %scan3A_7 = arith.constant 0 : i32
    %scan3A_8 = arith.constant 125 : i32
    %scan3A_9 = arith.addi %scan3A_7, %scan3A_8 : i32
    %scan3A_10 = arith.constant 1 : i32
    scf.for %scan3A_19 = %scan3A_7 to %scan3A_9 step %scan3A_10  : i32 {
      %mul3A_20 = arith.constant 10000 : i32
      %mul3A_21 = arith.muli %arg1, %mul3A_20 : i32
      %mul3A_22 = arith.constant 80 : i32
      %mul3A_23 = arith.muli %scan3A_19, %mul3A_22 : i32
      %add3A = arith.addi %mul3A_21, %mul3A_23 : i32
      "tpu.region"() ({
        %run_scoped3A = tpu.sem_alloc : memref<!tpu.dma_semaphore, #tpu.memory_space<semaphore_mem>>
        %dma_start3A_36 = tpu.memref_slice %arg3[%add3A] : memref<160000xi32, #tpu.memory_space<hbm>> -> memref<80xi32, #tpu.memory_space<hbm>>
        %dma_start3A_37 = tpu.memref_slice %arg3[%add3A] : memref<160000xi32, #tpu.memory_space<hbm>> -> memref<80xi32, #tpu.memory_space<hbm>>
        tpu.enqueue_dma source(%dma_start3A_37 : memref<80xi32, #tpu.memory_space<hbm>>) target(%arg7 : memref<80xi32, #tpu.memory_space<vmem>>) target_semaphore(%run_scoped3A : memref<!tpu.dma_semaphore, #tpu.memory_space<semaphore_mem>>)
        %dma_wait3A_38 = tpu.memref_slice %arg3[%add3A] : memref<160000xi32, #tpu.memory_space<hbm>> -> memref<80xi32, #tpu.memory_space<hbm>>
        %dma_wait3A_39 = tpu.memref_slice %arg3[%add3A] : memref<160000xi32, #tpu.memory_space<hbm>> -> memref<80xi32, #tpu.memory_space<hbm>>
        tpu.wait_dma2 semaphore(%run_scoped3A : memref<!tpu.dma_semaphore, #tpu.memory_space<semaphore_mem>>) src(%dma_wait3A_39 : memref<80xi32, #tpu.memory_space<hbm>>) dst(%arg7 : memref<80xi32, #tpu.memory_space<vmem>>)
        tpu.yield
      }) : () -> ()
      "tpu.region"() ({
        %run_scoped3A = tpu.sem_alloc : memref<!tpu.dma_semaphore, #tpu.memory_space<semaphore_mem>>
        %dma_start3A_36 = tpu.memref_slice %arg4[%add3A] : memref<160000xi32, #tpu.memory_space<hbm>> -> memref<80xi32, #tpu.memory_space<hbm>>
        %dma_start3A_37 = tpu.memref_slice %arg4[%add3A] : memref<160000xi32, #tpu.memory_space<hbm>> -> memref<80xi32, #tpu.memory_space<hbm>>
        tpu.enqueue_dma source(%dma_start3A_37 : memref<80xi32, #tpu.memory_space<hbm>>) target(%arg8 : memref<80xi32, #tpu.memory_space<vmem>>) target_semaphore(%run_scoped3A : memref<!tpu.dma_semaphore, #tpu.memory_space<semaphore_mem>>)
        %dma_wait3A_38 = tpu.memref_slice %arg4[%add3A] : memref<160000xi32, #tpu.memory_space<hbm>> -> memref<80xi32, #tpu.memory_space<hbm>>
        %dma_wait3A_39 = tpu.memref_slice %arg4[%add3A] : memref<160000xi32, #tpu.memory_space<hbm>> -> memref<80xi32, #tpu.memory_space<hbm>>
        tpu.wait_dma2 semaphore(%run_scoped3A : memref<!tpu.dma_semaphore, #tpu.memory_space<semaphore_mem>>) src(%dma_wait3A_39 : memref<80xi32, #tpu.memory_space<hbm>>) dst(%arg8 : memref<80xi32, #tpu.memory_space<vmem>>)
        tpu.yield
      }) : () -> ()
      %dma_start3A = arith.constant 0 : i32
      %dma_start3A_24 = arith.constant 0 : i32
      %dma_start3A_25 = tpu.memref_slice %arg2[%arg0, %dma_start3A, %dma_start3A_24] : memref<2x10000x128xf32, #tpu.memory_space<hbm>> -> memref<1x10000x128xf32, #tpu.memory_space<hbm>>
      %dma_start3A_26 = tpu.memref_squeeze %dma_start3A_25 : memref<1x10000x128xf32, #tpu.memory_space<hbm>> -> memref<10000x128xf32, #tpu.memory_space<hbm>>
      %dma_start3A_27 = arith.constant 0 : i32
      %dma_start3A_28 = arith.constant 0 : i32
      %dma_start3A_29 = tpu.memref_slice %dma_start3A_26[%dma_start3A_27, %dma_start3A_28] : memref<10000x128xf32, #tpu.memory_space<hbm>> -> memref<10000x128xf32, #tpu.memory_space<hbm>>
      tpu.enqueue_indirect_dma source(%dma_start3A_29 : memref<10000x128xf32, #tpu.memory_space<hbm>>) target(%arg9 : memref<80x128xf32, #tpu.memory_space<vmem>>) offsets(%arg7 : memref<80xi32, #tpu.memory_space<vmem>>) semaphore(%arg11 : memref<!tpu.dma_semaphore, #tpu.memory_space<semaphore_mem>>)
      %dma_wait3A = arith.constant 0 : i32
      %dma_wait3A_30 = arith.constant 0 : i32
      %dma_wait3A_31 = tpu.memref_slice %arg2[%arg0, %dma_wait3A, %dma_wait3A_30] : memref<2x10000x128xf32, #tpu.memory_space<hbm>> -> memref<1x10000x128xf32, #tpu.memory_space<hbm>>
      %dma_wait3A_32 = tpu.memref_squeeze %dma_wait3A_31 : memref<1x10000x128xf32, #tpu.memory_space<hbm>> -> memref<10000x128xf32, #tpu.memory_space<hbm>>
      %dma_wait3A_33 = arith.constant 0 : i32
      %dma_wait3A_34 = arith.constant 0 : i32
      %dma_wait3A_35 = tpu.memref_slice %dma_wait3A_32[%dma_wait3A_33, %dma_wait3A_34] : memref<10000x128xf32, #tpu.memory_space<hbm>> -> memref<10000x128xf32, #tpu.memory_space<hbm>>
      tpu.wait_indirect_dma semaphore(%arg11 : memref<!tpu.dma_semaphore, #tpu.memory_space<semaphore_mem>>) src(%dma_wait3A_35 : memref<10000x128xf32, #tpu.memory_space<hbm>>) dst(%arg9 : memref<80x128xf32, #tpu.memory_space<vmem>>)
      "tpu.region"() ({
        %run_scoped3A = tpu.sem_alloc : memref<!tpu.dma_semaphore, #tpu.memory_space<semaphore_mem>>
        %dma_start3A_36 = arith.constant 0 : i32
        %dma_start3A_37 = arith.constant 0 : i32
        %dma_start3A_38 = tpu.memref_slice %arg10[%dma_start3A_36, %dma_start3A_37] : memref<10000x128xf32, #tpu.memory_space<vmem_shared>> -> memref<10000x128xf32, #tpu.memory_space<vmem_shared>>
        tpu.enqueue_indirect_dma source(%arg9 : memref<80x128xf32, #tpu.memory_space<vmem>>) target(%dma_start3A_38 : memref<10000x128xf32, #tpu.memory_space<vmem_shared>>) offsets(%arg8 : memref<80xi32, #tpu.memory_space<vmem>>) semaphore(%run_scoped3A : memref<!tpu.dma_semaphore, #tpu.memory_space<semaphore_mem>>) {add = true}
        %dma_wait3A_39 = arith.constant 0 : i32
        %dma_wait3A_40 = arith.constant 0 : i32
        %dma_wait3A_41 = tpu.memref_slice %arg10[%dma_wait3A_39, %dma_wait3A_40] : memref<10000x128xf32, #tpu.memory_space<vmem_shared>> -> memref<10000x128xf32, #tpu.memory_space<vmem_shared>>
        tpu.wait_indirect_dma semaphore(%run_scoped3A : memref<!tpu.dma_semaphore, #tpu.memory_space<semaphore_mem>>) src(%arg9 : memref<80x128xf32, #tpu.memory_space<vmem>>) dst(%dma_wait3A_41 : memref<10000x128xf32, #tpu.memory_space<vmem_shared>>)
        tpu.yield
      }) : () -> ()
    }
    %scan3A_11 = arith.constant 125 : i32
    %barrier3A_12 = arith.constant 0 : index
    tpu.barrier barrier_id(%barrier3A_12)
    %scan3A_13 = arith.constant 0 : i32
    %scan3A_14 = arith.constant 0 : i32
    %scan3A_15 = arith.constant 5 : i32
    %scan3A_16 = arith.addi %scan3A_14, %scan3A_15 : i32
    %scan3A_17 = arith.constant 1 : i32
    scf.for %scan3A_19 = %scan3A_14 to %scan3A_16 step %scan3A_17  : i32 {
      %mul3A_20 = arith.constant 125 : i32
      %mul3A_21 = arith.muli %scan3A_19, %mul3A_20 : i32
      %add3A = arith.addi %mul3A_0, %mul3A_21 : i32
      "tpu.region"() ({
        %run_scoped3A = tpu.sem_alloc : memref<!tpu.dma_semaphore, #tpu.memory_space<semaphore_mem>>
        %dma_start3A = arith.constant 0 : i32
        %dma_start3A_22 = tpu.memref_slice %arg10[%add3A, %dma_start3A] : memref<10000x128xf32, #tpu.memory_space<vmem_shared>> -> memref<125x128xf32, #tpu.memory_space<vmem_shared>>
        %dma_start3A_23 = arith.constant 0 : i32
        %dma_start3A_24 = tpu.memref_slice %arg10[%add3A, %dma_start3A_23] : memref<10000x128xf32, #tpu.memory_space<vmem_shared>> -> memref<125x128xf32, #tpu.memory_space<vmem_shared>>
        tpu.enqueue_dma source(%dma_start3A_24 : memref<125x128xf32, #tpu.memory_space<vmem_shared>>) target(%arg6 : memref<125x128xf32, #tpu.memory_space<vmem>>) target_semaphore(%run_scoped3A : memref<!tpu.dma_semaphore, #tpu.memory_space<semaphore_mem>>)
        %dma_wait3A = arith.constant 0 : i32
        %dma_wait3A_25 = tpu.memref_slice %arg10[%add3A, %dma_wait3A] : memref<10000x128xf32, #tpu.memory_space<vmem_shared>> -> memref<125x128xf32, #tpu.memory_space<vmem_shared>>
        %dma_wait3A_26 = arith.constant 0 : i32
        %dma_wait3A_27 = tpu.memref_slice %arg10[%add3A, %dma_wait3A_26] : memref<10000x128xf32, #tpu.memory_space<vmem_shared>> -> memref<125x128xf32, #tpu.memory_space<vmem_shared>>
        tpu.wait_dma2 semaphore(%run_scoped3A : memref<!tpu.dma_semaphore, #tpu.memory_space<semaphore_mem>>) src(%dma_wait3A_27 : memref<125x128xf32, #tpu.memory_space<vmem_shared>>) dst(%arg6 : memref<125x128xf32, #tpu.memory_space<vmem>>)
        tpu.yield
      }) : () -> ()
      "tpu.region"() ({
        %run_scoped3A = tpu.sem_alloc : memref<!tpu.dma_semaphore, #tpu.memory_space<semaphore_mem>>
        %dma_start3A = arith.constant 0 : i32
        %dma_start3A_22 = arith.constant 0 : i32
        %dma_start3A_23 = tpu.memref_slice %arg5[%arg0, %dma_start3A, %dma_start3A_22] : memref<2x10000x128xf32, #tpu.memory_space<hbm>> -> memref<1x10000x128xf32, #tpu.memory_space<hbm>>
        %dma_start3A_24 = tpu.memref_squeeze %dma_start3A_23 : memref<1x10000x128xf32, #tpu.memory_space<hbm>> -> memref<10000x128xf32, #tpu.memory_space<hbm>>
        %dma_start3A_25 = arith.constant 0 : i32
        %dma_start3A_26 = tpu.memref_slice %dma_start3A_24[%add3A, %dma_start3A_25] : memref<10000x128xf32, #tpu.memory_space<hbm>> -> memref<125x128xf32, #tpu.memory_space<hbm>>
        %dma_start3A_27 = arith.constant 0 : i32
        %dma_start3A_28 = arith.constant 0 : i32
        %dma_start3A_29 = tpu.memref_slice %arg5[%arg0, %dma_start3A_27, %dma_start3A_28] : memref<2x10000x128xf32, #tpu.memory_space<hbm>> -> memref<1x10000x128xf32, #tpu.memory_space<hbm>>
        %dma_start3A_30 = tpu.memref_squeeze %dma_start3A_29 : memref<1x10000x128xf32, #tpu.memory_space<hbm>> -> memref<10000x128xf32, #tpu.memory_space<hbm>>
        %dma_start3A_31 = arith.constant 0 : i32
        %dma_start3A_32 = tpu.memref_slice %dma_start3A_30[%add3A, %dma_start3A_31] : memref<10000x128xf32, #tpu.memory_space<hbm>> -> memref<125x128xf32, #tpu.memory_space<hbm>>
        tpu.enqueue_dma source(%arg6 : memref<125x128xf32, #tpu.memory_space<vmem>>) target(%dma_start3A_32 : memref<125x128xf32, #tpu.memory_space<hbm>>) target_semaphore(%run_scoped3A : memref<!tpu.dma_semaphore, #tpu.memory_space<semaphore_mem>>)
        %dma_wait3A = arith.constant 0 : i32
        %dma_wait3A_33 = arith.constant 0 : i32
        %dma_wait3A_34 = tpu.memref_slice %arg5[%arg0, %dma_wait3A, %dma_wait3A_33] : memref<2x10000x128xf32, #tpu.memory_space<hbm>> -> memref<1x10000x128xf32, #tpu.memory_space<hbm>>
        %dma_wait3A_35 = tpu.memref_squeeze %dma_wait3A_34 : memref<1x10000x128xf32, #tpu.memory_space<hbm>> -> memref<10000x128xf32, #tpu.memory_space<hbm>>
        %dma_wait3A_36 = arith.constant 0 : i32
        %dma_wait3A_37 = tpu.memref_slice %dma_wait3A_35[%add3A, %dma_wait3A_36] : memref<10000x128xf32, #tpu.memory_space<hbm>> -> memref<125x128xf32, #tpu.memory_space<hbm>>
        %dma_wait3A_38 = arith.constant 0 : i32
        %dma_wait3A_39 = arith.constant 0 : i32
        %dma_wait3A_40 = tpu.memref_slice %arg5[%arg0, %dma_wait3A_38, %dma_wait3A_39] : memref<2x10000x128xf32, #tpu.memory_space<hbm>> -> memref<1x10000x128xf32, #tpu.memory_space<hbm>>
        %dma_wait3A_41 = tpu.memref_squeeze %dma_wait3A_40 : memref<1x10000x128xf32, #tpu.memory_space<hbm>> -> memref<10000x128xf32, #tpu.memory_space<hbm>>
        %dma_wait3A_42 = arith.constant 0 : i32
        %dma_wait3A_43 = tpu.memref_slice %dma_wait3A_41[%add3A, %dma_wait3A_42] : memref<10000x128xf32, #tpu.memory_space<hbm>> -> memref<125x128xf32, #tpu.memory_space<hbm>>
        tpu.wait_dma2 semaphore(%run_scoped3A : memref<!tpu.dma_semaphore, #tpu.memory_space<semaphore_mem>>) src(%arg6 : memref<125x128xf32, #tpu.memory_space<vmem>>) dst(%dma_wait3A_43 : memref<125x128xf32, #tpu.memory_space<hbm>>)
        tpu.yield
      }) : () -> ()
    }
    %scan3A_18 = arith.constant 5 : i32
    return
  }
}

module attributes {stable_mosaic.version = 14 : i64} {
  func.func @body(%arg0: i32, %arg1: memref<2x1000x128xf32, #tpu.memory_space<vmem>>, %arg2: memref<1x32x1000xf32, #tpu.memory_space<vmem>>, %arg3: memref<1x256xf32, #tpu.memory_space<vmem>>, %arg4: memref<1000x256xf32, #tpu.memory_space<vmem>>) attributes {dimension_semantics = [#tpu.dimension_semantics<arbitrary>], iteration_bounds = array<i64: 10>, scalar_prefetch = 0 : i64, scratch_operands = 0 : i64, tpu.core_type = #tpu.core_type<tc>, window_params = [{transform_indices = @transform_0, window_bounds = array<i64: 2, 1000, 128>}, {transform_indices = @transform_1, window_bounds = array<i64: 1, 32, 1000>}, {pipeline_mode = #tpu.pipeline_mode<synchronous>, transform_indices = @transform_2, window_bounds = array<i64: 1, 256>}, {transform_indices = @transform_3, window_bounds = array<i64: 1000, 256>}]} {
    %get3A = arith.constant 0 : index
    %get3A_0 = arith.constant 0 : index
    %get3A_1 = arith.constant 0 : index
    %get3A_2 = vector.load %arg2[%get3A, %get3A_0, %get3A_1] : memref<1x32x1000xf32, #tpu.memory_space<vmem>>, vector<1x32x1000xf32>
    %get3A_3 = vector.shape_cast %get3A_2 : vector<1x32x1000xf32> to vector<32x1000xf32>
    %reduce_sum3A = arith.constant dense<0.000000e+00> : vector<1000xf32>
    %reduce_sum3A_4 = vector.multi_reduction <add>, %get3A_3, %reduce_sum3A [0] : vector<32x1000xf32> to vector<1000xf32>
    %add3A = arith.constant 1.000000e+00 : f32
    %add3A_5 = vector.broadcast %add3A : f32 to vector<1000xf32>
    %add3A_6 = arith.addf %reduce_sum3A_4, %add3A_5 : vector<1000xf32>
    %rsqrt3A = math.rsqrt %add3A_6 : vector<1000xf32>
    %get3A_7 = arith.constant 0 : index
    %get3A_8 = arith.constant 0 : index
    %get3A_9 = arith.constant 0 : index
    %get3A_10 = vector.load %arg1[%get3A_7, %get3A_8, %get3A_9] : memref<2x1000x128xf32, #tpu.memory_space<vmem>>, vector<1x1000x128xf32>
    %get3A_11 = vector.shape_cast %get3A_10 : vector<1x1000x128xf32> to vector<1000x128xf32>
    %get3A_12 = arith.constant 1 : index
    %get3A_13 = arith.constant 0 : index
    %get3A_14 = arith.constant 0 : index
    %get3A_15 = vector.load %arg1[%get3A_12, %get3A_13, %get3A_14] : memref<2x1000x128xf32, #tpu.memory_space<vmem>>, vector<1x1000x128xf32>
    %get3A_16 = vector.shape_cast %get3A_15 : vector<1x1000x128xf32> to vector<1000x128xf32>
    %concatenate3A = tpu.concatenate %get3A_11, %get3A_16 in 1 : vector<1000x128xf32>, vector<1000x128xf32> -> vector<1000x256xf32>
    %broadcast_in_dim3A = vector.shape_cast %rsqrt3A : vector<1000xf32> to vector<1000x1xf32>
    %mul3A = vector.broadcast %broadcast_in_dim3A : vector<1000x1xf32> to vector<1000x256xf32>
    %mul3A_17 = arith.mulf %concatenate3A, %mul3A : vector<1000x256xf32>
    %get3A_18 = arith.constant 0 : index
    %get3A_19 = arith.constant 0 : index
    %get3A_20 = vector.load %arg3[%get3A_18, %get3A_19] : memref<1x256xf32, #tpu.memory_space<vmem>>, vector<1x256xf32>
    %add3A_21 = vector.broadcast %get3A_20 : vector<1x256xf32> to vector<1000x256xf32>
    %add3A_22 = arith.addf %mul3A_17, %add3A_21 : vector<1000x256xf32>
    %max3A = arith.constant 0.000000e+00 : f32
    %max3A_23 = vector.broadcast %max3A : f32 to vector<1000x256xf32>
    %max3A_24 = arith.maximumf %add3A_22, %max3A_23 : vector<1000x256xf32>
    %swap3A = arith.constant 0 : index
    %swap3A_25 = arith.constant 0 : index
    %swap3A_26 = vector.load %arg4[%swap3A, %swap3A_25] : memref<1000x256xf32, #tpu.memory_space<vmem>>, vector<1000x256xf32>
    tpu.vector_store %arg4[%swap3A, %swap3A_25], %max3A_24 {strides = array<i32>} : memref<1000x256xf32, #tpu.memory_space<vmem>>, vector<1000x256xf32>,
    return
  }
  func.func @transform_0(%arg0: i32) -> (i32, i32, i32) {
    %c0_i32 = arith.constant 0 : i32
    %c0_i32_0 = arith.constant 0 : i32
    %c0_i32_1 = arith.constant 0 : i32
    return %c0_i32, %arg0, %c0_i32_0 : i32, i32, i32
  }
  func.func @transform_1(%arg0: i32) -> (i32, i32, i32) {
    %c0_i32 = arith.constant 0 : i32
    %c0_i32_0 = arith.constant 0 : i32
    %c0_i32_1 = arith.constant 0 : i32
    return %arg0, %c0_i32, %c0_i32_0 : i32, i32, i32
  }
  func.func @transform_2(%arg0: i32) -> (i32, i32) {
    %c0_i32 = arith.constant 0 : i32
    %c0_i32_0 = arith.constant 0 : i32
    %c0_i32_1 = arith.constant 0 : i32
    return %c0_i32, %c0_i32_0 : i32, i32
  }
  func.func @transform_3(%arg0: i32) -> (i32, i32) {
    %c0_i32 = arith.constant 0 : i32
    %c0_i32_0 = arith.constant 0 : i32
    return %arg0, %c0_i32 : i32, i32
  }
}

module attributes {stable_mosaic.version = 14 : i64} {
  func.func @body(%arg0: i32, %arg1: memref<1000x256xf32, #tpu.memory_space<vmem>>, %arg2: memref<256x256xf32, #tpu.memory_space<vmem>>, %arg3: memref<1x32x1000xf32, #tpu.memory_space<vmem>>, %arg4: memref<2x1000x128xf32, #tpu.memory_space<vmem>>) attributes {dimension_semantics = [#tpu.dimension_semantics<arbitrary>], iteration_bounds = array<i64: 10>, scalar_prefetch = 0 : i64, scratch_operands = 0 : i64, tpu.core_type = #tpu.core_type<tc>, window_params = [{transform_indices = @transform_0, window_bounds = array<i64: 1000, 256>}, {pipeline_mode = #tpu.pipeline_mode<synchronous>, transform_indices = @transform_1, window_bounds = array<i64: 256, 256>}, {transform_indices = @transform_2, window_bounds = array<i64: 1, 32, 1000>}, {transform_indices = @transform_3, window_bounds = array<i64: 2, 1000, 128>}]} {
    %get3A = arith.constant 0 : index
    %get3A_0 = arith.constant 0 : index
    %get3A_1 = arith.constant 0 : index
    %get3A_2 = vector.load %arg3[%get3A, %get3A_0, %get3A_1] : memref<1x32x1000xf32, #tpu.memory_space<vmem>>, vector<1x32x1000xf32>
    %get3A_3 = vector.shape_cast %get3A_2 : vector<1x32x1000xf32> to vector<32x1000xf32>
    %reduce_sum3A = arith.constant dense<0.000000e+00> : vector<1000xf32>
    %reduce_sum3A_4 = vector.multi_reduction <add>, %get3A_3, %reduce_sum3A [0] : vector<32x1000xf32> to vector<1000xf32>
    %add3A = arith.constant 1.000000e+00 : f32
    %add3A_5 = vector.broadcast %add3A : f32 to vector<1000xf32>
    %add3A_6 = arith.addf %reduce_sum3A_4, %add3A_5 : vector<1000xf32>
    %rsqrt3A = math.rsqrt %add3A_6 : vector<1000xf32>
    %get3A_7 = arith.constant 0 : index
    %get3A_8 = arith.constant 0 : index
    %get3A_9 = vector.load %arg1[%get3A_7, %get3A_8] : memref<1000x256xf32, #tpu.memory_space<vmem>>, vector<1000x256xf32>
    %get3A_10 = arith.constant 0 : index
    %get3A_11 = arith.constant 0 : index
    %get3A_12 = vector.load %arg2[%get3A_10, %get3A_11] : memref<256x256xf32, #tpu.memory_space<vmem>>, vector<256x256xf32>
    %dot_general3A = arith.constant dense<0.000000e+00> : vector<1000x256xf32>
    %dot_general3A_13 = tpu.matmul %get3A_9, %get3A_12, %dot_general3A {dimension_numbers = #tpu.dot_dimension_numbers<[1], [0], [0], [1], [0, 0, 1, 1], [], []>, transpose_lhs_hint = false} : vector<1000x256xf32>, vector<256x256xf32>, vector<1000x256xf32> -> vector<1000x256xf32>
    %broadcast_in_dim3A = vector.shape_cast %rsqrt3A : vector<1000xf32> to vector<1000x1xf32>
    %mul3A = vector.broadcast %broadcast_in_dim3A : vector<1000x1xf32> to vector<1000x256xf32>
    %mul3A_14 = arith.mulf %dot_general3A_13, %mul3A : vector<1000x256xf32>
    %slice3A = vector.extract_strided_slice %mul3A_14 {offsets = [0, 0], sizes = [1000, 128], strides = [1, 1]} : vector<1000x256xf32> to vector<1000x128xf32>
    %swap3A = arith.constant 0 : index
    %swap3A_15 = arith.constant 0 : index
    %swap3A_16 = arith.constant 0 : index
    %swap3A_17 = vector.load %arg4[%swap3A, %swap3A_15, %swap3A_16] : memref<2x1000x128xf32, #tpu.memory_space<vmem>>, vector<1x1000x128xf32>
    %swap3A_18 = vector.shape_cast %swap3A_17 : vector<1x1000x128xf32> to vector<1000x128xf32>
    %swap3A_19 = vector.shape_cast %slice3A : vector<1000x128xf32> to vector<1x1000x128xf32>
    tpu.vector_store %arg4[%swap3A, %swap3A_15, %swap3A_16], %swap3A_19 {strides = array<i32>} : memref<2x1000x128xf32, #tpu.memory_space<vmem>>, vector<1x1000x128xf32>,
    %slice3A_20 = vector.extract_strided_slice %mul3A_14 {offsets = [0, 128], sizes = [1000, 128], strides = [1, 1]} : vector<1000x256xf32> to vector<1000x128xf32>
    %swap3A_21 = arith.constant 1 : index
    %swap3A_22 = arith.constant 0 : index
    %swap3A_23 = arith.constant 0 : index
    %swap3A_24 = vector.load %arg4[%swap3A_21, %swap3A_22, %swap3A_23] : memref<2x1000x128xf32, #tpu.memory_space<vmem>>, vector<1x1000x128xf32>
    %swap3A_25 = vector.shape_cast %swap3A_24 : vector<1x1000x128xf32> to vector<1000x128xf32>
    %swap3A_26 = vector.shape_cast %slice3A_20 : vector<1000x128xf32> to vector<1x1000x128xf32>
    tpu.vector_store %arg4[%swap3A_21, %swap3A_22, %swap3A_23], %swap3A_26 {strides = array<i32>} : memref<2x1000x128xf32, #tpu.memory_space<vmem>>, vector<1x1000x128xf32>,
    return
  }
  func.func @transform_0(%arg0: i32) -> (i32, i32) {
    %c0_i32 = arith.constant 0 : i32
    %c0_i32_0 = arith.constant 0 : i32
    return %arg0, %c0_i32 : i32, i32
  }
  func.func @transform_1(%arg0: i32) -> (i32, i32) {
    %c0_i32 = arith.constant 0 : i32
    %c0_i32_0 = arith.constant 0 : i32
    %c0_i32_1 = arith.constant 0 : i32
    return %c0_i32, %c0_i32_0 : i32, i32
  }
  func.func @transform_2(%arg0: i32) -> (i32, i32, i32) {
    %c0_i32 = arith.constant 0 : i32
    %c0_i32_0 = arith.constant 0 : i32
    %c0_i32_1 = arith.constant 0 : i32
    return %arg0, %c0_i32, %c0_i32_0 : i32, i32, i32
  }
  func.func @transform_3(%arg0: i32) -> (i32, i32, i32) {
    %c0_i32 = arith.constant 0 : i32
    %c0_i32_0 = arith.constant 0 : i32
    %c0_i32_1 = arith.constant 0 : i32
    return %c0_i32, %arg0, %c0_i32_0 : i32, i32, i32
  }
}

</mosaic_0001>

<sc_bundles>
// kernel: kernel.6.cloned.1.call-start
scs
__scs_entry_jumppad:
0x0: {  	(pc) =	sbr.rel $0x88, $3  }
0x1: {  	(tag) =	ssettag $0x0;
	lr =	simm.s32 $0x1  }
0x2: {  	[smem:$0x3F9D] =	sst lr;
	_ =	strace $0xD0000000  }
0x3: {  	_ = 	snop  }
0x4: {  	_ = 	snop  }
0x5: {  	_ = 	snop  }
0x6: {  	_ = 	snop  }
0x7: {  	_ = 	snop  }
__scs_overlays_trampoline_lowered:
0x8: {  	[smem:$0x3FAC] =	sst s0  }
0x9: {  	[smem:$0x3FAD] =	sst s1  }
0xa: {  	[smem:$0x3FAE] =	sst s2  }
0xb: {  	[smem:$0x3FAF] =	sst s3  }
0xc: {  	[smem:$0x3FB0] =	sst s4  }
0xd: {  	[smem:$0x3FB1] =	sst s5  }
0xe: {  	[smem:$0x3FB2] =	sst s6  }
0xf: {  	[smem:$0x3FB3] =	sst s7  }
0x10: {  	[smem:$0x3FB4] =	sst s8  }
0x11: {  	[smem:$0x3FB5] =	sst s9;
	s0 =	simm.s32 @!p0 $0x0  }
0x12: {  	s1 =	sld [smem:$0x3F9B];
	s0 =	simm.s32 @p0 $0x1  }
0x13: {  	[smem:$0x3FB6] =	sst s0;
	s0 =	simm.s32 @!p1 $0x0  }
0x14: {  	s2 =	sld [smem:$0x3F9A];
	s0 =	simm.s32 @p1 $0x1  }
0x15: {  	[smem:$0x3FB7] =	sst s0;
	s0 =	simm.s32 @!p2 $0x0  }
0x16: {  	s3 =	sld [smem:$0x3FDB];
	s0 =	simm.s32 @p2 $0x1  }
0x17: {  	s4 =	simm.s32 $0x1BF5;
	[smem:$0x3FB9] =	sst s0  }
0x18: {  	s0 =	sld [smem:$0x3F9C];
	_ =	swait.ge [sflag:s4], $0x0  }
0x19: {  	s7 =	sld [smem:$0x3F9D]  }
0x1a: {  	s8 =	sadd.s32 $0xFFFFE003, lr  }
0x1b: {  	s9 =	sadd.s32 $0xFFFFFEF7, lr;
	s5 =	simm.s32 $0xFFFFFFFF;
	p2 =	slt.u32 s8, $0xFFFFF086  }
0x1c: {  	p1 =	slt.u32 s9, $0xF7A;
	s5 =	simm.s32 @!p2 $0x0  }
0x1d: {  	s5 =	simm.s32 @p1 $0x1;
	p0 =	seq.s32 s7, s2  }
0x1e: {  	s7 =	smul.u32 @!p0 $0xF7A, s2;
	p2 =	seq.s32 @!p0 s5, $0x0  }
0x1f: {  	s9 =	smul.u32 $0xF7A, s1;
	s8 =	simm.s32 @!p0 $0x1BF5;
	p2 =	por !p2, p0  }
0x20: {  	[sflag:s8] =	ssyncset.s32 @!p0 $0xFFFFF086;
	s6 =	sadd.s32 @!p0 s3, s7;
	s7 =	simm.s32 @!p0 $0x108  }
0x21: {  	s3 =	sadd.s32 s3, s9;
	s6 =	sadd.s32 @!p0 $0x88, s6;
	s7 =	simm.s32 @p2 $0x1082  }
0x22: {  	[simem:s7], [sflag:s8] =	dma.local @!p0 [hbm:s6], $0xF7A  }
0x23: {  	s9 =	sor.u32 $0xD0000000, s2;
	s6 =	simm.s32 $0x108;
	_ =	swait.ge @!p0 [sflag:s8], $0x0  }
0x24: {  	s3 =	sadd.s32 $0x88, s3;
	s6 =	simm.s32 @!p1 $0x1082;
	[sflag:s4] =	ssyncset.s32 $0xFFFFF086  }
0x25: {  	[simem:s6], [sflag:s4] =	dma.local [hbm:s3], $0xF7A  }
0x26: {  	[smem:$0x3F9D] =	sst s1;
	(tag) =	ssettag s2;
	_ =	strace s9  }
0x27: {  	s1 =	sld [smem:$0x3FAD]  }
0x28: {  	s2 =	sld [smem:$0x3FAE]  }
0x29: {  	s4 =	sld [smem:$0x3FB0]  }
0x2a: {  	p0 =	seq.s32 s5, $0x0;
	s5 =	sld [smem:$0x3FB1]  }
0x2b: {  	s6 =	sld [smem:$0x3FB2]  }
0x2c: {  	s7 =	sld [smem:$0x3FB3]  }
0x2d: {  	s3 =	simm.s32 $0x108;
	s8 =	sld [smem:$0x3FB4]  }
0x2e: {  	s3 =	simm.s32 @!p0 $0x1082;
	s9 =	sld [smem:$0x3FB5]  }
0x2f: {  	lr =	sadd.s32 s0, s3;
	s0 =	sld [smem:$0x3FAC]  }
0x30: {  	s3 =	sld [smem:$0x3FAF]  }
0x31: {  	[smem:$0x3FB8] =	sst s10  }
0x32: {  	s10 =	sld [smem:$0x3FB6];
	_ =	sdelay $0x3  }
0x33: {  	p0 =	seq.s32 s10, $0x1;
	s10 =	sld [smem:$0x3FB8];
	_ =	sdelay $0x3  }
0x34: {  	[smem:$0x3FB8] =	sst s10  }
0x35: {  	s10 =	sld [smem:$0x3FB7];
	_ =	sdelay $0x3  }
0x36: {  	p1 =	seq.s32 s10, $0x1;
	s10 =	sld [smem:$0x3FB8];
	_ =	sdelay $0x3  }
0x37: {  	[smem:$0x3FB8] =	sst s10  }
0x38: {  	s10 =	sld [smem:$0x3FB9]  }
0x39: {  	_ = 	snop;
	(pc) =	sbr.ind lr, $3  }
0x3a: {  	_ = 	snop  }
0x3b: {  	_ = 	snop  }
0x3c: {  	p2 =	seq.s32 s10, $0x1;
	s10 =	sld [smem:$0x3FB8]  }
0x3d: {  	_ =	shalt  }
0x3e: {  	_ =	shalt  }
0x3f: {  	_ =	shalt  }
0x40: {  	_ =	shalt  }
0x41: {  	_ =	shalt  }
0x42: {  	_ =	shalt  }
0x43: {  	_ =	shalt  }
0x44: {  	_ =	shalt  }
0x45: {  	_ =	shalt  }
0x46: {  	_ =	shalt  }
0x47: {  	_ =	shalt  }
0x48: {  	_ =	shalt  }
0x49: {  	_ =	shalt  }
0x4a: {  	_ =	shalt  }
0x4b: {  	_ =	shalt  }
0x4c: {  	_ =	shalt  }
0x4d: {  	_ =	shalt  }
0x4e: {  	_ =	shalt  }
0x4f: {  	_ =	shalt  }
0x50: {  	_ =	shalt  }
0x51: {  	_ =	shalt  }
0x52: {  	_ =	shalt  }
0x53: {  	_ =	shalt  }
0x54: {  	_ =	shalt  }
0x55: {  	_ =	shalt  }
0x56: {  	_ =	shalt  }
0x57: {  	_ =	shalt  }
0x58: {  	_ =	shalt  }
0x59: {  	_ =	shalt  }
0x5a: {  	_ =	shalt  }
0x5b: {  	_ =	shalt  }
0x5c: {  	_ =	shalt  }
0x5d: {  	_ =	shalt  }
0x5e: {  	_ =	shalt  }
0x5f: {  	_ =	shalt  }
0x60: {  	_ =	shalt  }
0x61: {  	_ =	shalt  }
0x62: {  	_ =	shalt  }
0x63: {  	_ =	shalt  }
0x64: {  	_ =	shalt  }
0x65: {  	_ =	shalt  }
0x66: {  	_ =	shalt  }
0x67: {  	_ =	shalt  }
0x68: {  	_ =	shalt  }
0x69: {  	_ =	shalt  }
0x6a: {  	_ =	shalt  }
0x6b: {  	_ =	shalt  }
0x6c: {  	_ =	shalt  }
0x6d: {  	_ =	shalt  }
0x6e: {  	_ =	shalt  }
0x6f: {  	_ =	shalt  }
0x70: {  	_ =	shalt  }
0x71: {  	_ =	shalt  }
0x72: {  	_ =	shalt  }
0x73: {  	_ =	shalt  }
0x74: {  	_ =	shalt  }
0x75: {  	_ =	shalt  }
0x76: {  	_ =	shalt  }
0x77: {  	_ =	shalt  }
0x78: {  	_ =	shalt  }
0x79: {  	_ =	shalt  }
0x7a: {  	_ =	shalt  }
0x7b: {  	_ =	shalt  }
0x7c: {  	_ =	shalt  }
0x7d: {  	_ =	shalt  }
0x7e: {  	_ =	shalt  }
0x7f: {  	_ =	shalt  }
0x80: {  	_ =	shalt  }
0x81: {  	_ =	shalt  }
0x82: {  	_ =	shalt  }
0x83: {  	_ =	shalt  }
0x84: {  	_ =	shalt  }
0x85: {  	_ =	shalt  }
0x86: {  	_ =	shalt  }
0x87: {  	_ =	shalt  }
.Lfunc_end0:
.L_simem_size_0:
called_computation_lowered:
.L_overlay_start_0:
0x88: {  	s2 =	sld [smem:$0x3FD9]  }
0x89: {  	s3 =	sld [smem:$0x3FFE];
	_ =	sdelay $0x1  }
0x8a: {  	s1 =	srdreg.scid  }
0x8b: {  	s0 =	sand.u32 $0x1, s1  }
0x8c: {  	s17 =	sshll.u32 s0, $0xA;
	s2 =	sadd.s32 s3, s2  }
0x8d: {  	s2 =	sadd.s32 s2, s17  }
0x8e: {  	[smem:$0x3FC4] =	sst s2  }
0x8f: {  	_ = 	snop  }
0x90: {  	s2 =	sld [smem:$0x3FD0];
	(tm) =	ssettm $0x1  }
0x91: {  	s18 =	sld [smem:$0x3FFB];
	_ =	sdelay $0x3  }
0x92: {  	_ =	strace s18  }
0x93: {  	s3 =	sld [smem:$0x3FFC];
	_ =	sdelay $0x3  }
0x94: {  	_ =	strace s3  }
0x95: {  	s3 =	sld [smem:$0x3FFD];
	_ =	sdelay $0x3  }
0x96: {  	_ =	strace s3  }
0x97: {  	_ =	strace $0x8FFFFFFF  }
0x98: {  	s19 =	sld [smem:$0x3FDB];
	_ =	sdelay $0x1  }
0x99: {  	s4 =	simm.s32 $_scs_section_size  }
0x9a: {  	s5 =	simm.s32 $_size__tile_overlayer_lowered;
	s6 =	simm.s32 $_tile_overlayer_lowered  }
0x9b: {  	s22 =	simm.s32 $0x1BFF;
	s21 =	sshll.u32 s6, $0x1;
	s3 =	sadd.s32 s4, s19  }
0x9c: {  	s7 =	simm.s32 $0x0;
	s20 =	sshll.u32 s5, $0x1;
	s5 =	sadd.s32 s21, s3  }
0x9d: {  	[timem:s7], [sflag:s22] =	dma.local [hbm:s5], s20  }
0x9e: {  	_ =	swait.ge [sflag:s22], s20  }
0x9f: {  	s4 =	ssub.s32 $0x0, s20;
	[sflag:s22] =	ssyncset.done $0x0  }
0xa0: {  	[sflag:s22] =	ssyncadd.s32 s4;
	_ =	sdelay $0x1  }
0xa1: {  	s23 =	simm.s32 $0x1B8B  }
0xa2: {  	_ =	swait.ge [sflag:s23], $0x1  }
0xa3: {  	[sflag:s23] =	ssyncset.done $0x0  }
0xa4: {  	s25 =	simm.s32 $0x1B8E;
	s24 =	sld [smem:$0x3FFE];
	[sflag:s23] =	ssyncadd.s32 $0xFFFFFFFF  }
0xa5: {  	s26 =	simm.s32 $execute0_lowered;
	[smem:$0x3FD2] =	sst s25  }
0xa6: {  	s5 =	sshll.u32 s26, $0x1;
	_ =	strace $0x80000046;
	[dreg:$0x1] =	wrdreg $0xFFFFFFFF  }
0xa7: {  	s28 =	simm.s32 $_size_execute0_lowered;
	s3 =	sadd.s32 s3, s5;
	[dreg:$0x0] =	wrdreg $0x0  }
0xa8: {  	s5 =	sshll.u32 s28, $0x1;
	[dreg:$0x2] =	wrdreg s3  }
0xa9: {  	[dreg:$0x3] =	wrdreg s5  }
0xaa: {  	[dreg:$0x4] =	wrdreg $0xC0  }
0xab: {  	_ =	task [dreg:s7], $0x5FFFF  }
0xac: {  	[dreg:$0x1] =	wrdreg $0xFFFFFFFF  }
0xad: {  	[dreg:$0x0] =	wrdreg $0x60  }
0xae: {  	[dreg:$0x2] =	wrdreg s24  }
0xaf: {  	[dreg:$0x3] =	wrdreg s2  }
0xb0: {  	[dreg:$0x4] =	wrdreg $0x9  }
0xb1: {  	_ =	task.clear_ibuf [dreg:s7], $0x5FFFF;
	_ =	strace $0x90000046  }
0xb2: {  	s29 =	simm.s32 $0x9;
	_ =	strace $0x80000048  }
0xb3: {  	_ =	swait.ge [sflag:s29], $0x1  }
0xb4: {  	[sflag:s29] =	ssyncadd.s32 $0xFFFFFFFF  }
0xb5: {  	_ =	strace $0x90000048  }
0xb6: {  	_ =	sfence  }
0xb7: {  	s30 =	sld [smem:$0x0];
	_ =	sdelay $0x2  }
0xb8: {  	s31 =	sshll.u32 s1, $0xD;
	s1 =	sshrl.u32 s1, $0x2  }
0xb9: {  	s3 =	sand.u32 $0x4000, s31;
	s1 =	sadd.s32 s1, s30  }
0xba: {  	s0 =	sor.u32 s3, s0;
	s1 =	sshll.u32 s1, $0x11  }
0xbb: {  	s0 =	sor.u32 s1, s0  }
0xbc: {  	s0 =	sadd.s32 $0x8F2B, s0  }
0xbd: {  	[sflag:s0] =	ssyncadd.remote.s32 $0x1  }
0xbe: {  	_ =	sfence.sel $0xFFFF  }
0xbf: {  	[dreg:$0x0] =	wrdreg $0xFFFFFFFF;
	(pc) =	sbr.abs _section_cstart, $3  }
0xc0: {  	[dreg:$0x1] =	wrdreg $0xFFFFFFFF  }
0xc1: {  	_ =	task.clear_ibuf [dreg:s7], $0x2FFFF;
	_ =	strace $0x9FFFFFFF  }
0xc2: {  	(tm) =	ssettm $0x7FFFFFFF  }
0xc3: {  	_ =	shalt  }
tec
execute0_lowered:
.L_overlay_start_1:
0x0: {  	(tag) =	ssettag $0x1  }
0x1: {  	s1 =	srdreg.scid  }
0x2: {  	s0 =	stileid.u32;
	s3 =	rddreg [dreg:$0x0]  }
0x3: {  	s5 =	rddreg [dreg:$0x1];
	s2 =	simm.s32 $0x0;
	s15 =	simm.s32 $0x1  }
0x4: {  	s16 =	simm.s32 $0x1398;
	s17 =	simm.s32 $0x1780;
	s18 =	simm.s32 $0x1B68  }
0x5: {  	s19 =	simm.s32 $0x1F50;
	s20 =	simm.s32 $0x2338;
	s21 =	simm.s32 $0x2720  }
0x6: {  	s22 =	simm.s32 $0x2B08;
	s4 =	sand.u32 $0x1, s1;
	s31 =	sshll.u32 s0, $0x1  }
0x7: {  	s23 =	simm.s32 $0x2EF0;
	s24 =	simm.s32 $0x32D8;
	s6 =	sor.u32 s4, s31  }
0x8: {  	s25 =	simm.s32 $0x36C0;
	s26 =	simm.s32 $0x0;
	s7 =	smul.u32 $0x3E8, s6  }
0x9: {  	[smem:$0x7FF] =	sst s2;
	s4 =	ssub.s32 $0x2, s4;
	s6 =	smul.u32 $0x271, s6  }
0xa: {  	s1 =	rddreg [dreg:$0x2];
	_ =	strace $0x80000047;
	s8 =	sshrl.u32 s4, $0x1  }
0xb: {  	s14 =	ssub.s32 s4, s8;
	s7 =	sshrl.u32 s7, $0x3;
	s6 =	sadd.s32 s6, s3  }
0xc: {  	s14 =	smax.u32 s14, $0x1;
	s3 =	sadd.s32 s5, s7;
	s4 =	sadd.s32 $0x5A00, s6  }
0xd: {  	s5 =	sadd.s32 $0xFA0, s3;
	s6 =	sadd.s32 $0x1F40, s3;
	s7 =	sadd.s32 $0x2EE0, s3  }
0xe: {  	s8 =	sadd.s32 $0x3E80, s3;
	s9 =	sadd.s32 $0x4E20, s3;
	s10 =	sadd.s32 $0x5DC0, s3  }
0xf: {  	v0 =	vimm.f32 $0.0e+00;
	v1 =	vimm.s32 $0x0;
	v2 =	vimm.f32 $1.000000000e+00;
	s11 =	sadd.s32 $0x6D60, s3;
	s12 =	sadd.s32 $0x7D00, s3;
	s13 =	sadd.s32 $0x8CA0, s3  }
.LBB2_1:
0x10: {  	s28 =	simm.s32 $0x40;
	s29 =	simm.s32 $0x0  }
.LBB2_2:
0x11: {  	p0 =	sne.s32 s28, $0x9C00;
	[tilespmem:s29+$0x1398] =	vst v0;
	s29 =	smov.u32 s28;
	s28 =	sadd.s32 $0x40, s28  }
.Ltmp0:
0x12: {  	(pc) =	sbr.rel @p0 .LBB2_2-.Ltmp0, $2  }
0x13: {  	_ =	sdelay $0x2  }
0x14: {  	s29 =	sshra.s32 s29, $0x2  }
0x15: {  	[tilespmem:s29+$0x1398] =	vst v0  }
0x16: {  	s28 =	simm.s32 $0x0;
	[tilespmem:$0x1380] =	vst v1  }
0x17: {  	[tilespmem:s28], [sflag:$0x1] =	stream.linear.gather [hbm4b:s4+s28], $0x1388, $0x38;
	[tilespmem:$0x3AA8] =	vst v63  }
0x18: {  	_ =	swait.ge [sflag:s15], $0x1388  }
0x19: {  	[sflag:s15] =	ssyncset.done $0x0  }
0x1a: {  	s29 =	simm.s32 $0x0;
	s28 =	simm.s32 $0x40;
	[sflag:s15] =	ssyncadd.s32 $0xFFFFEC78  }
.LBB2_4:
0x1b: {  	p0 =	sne.s32 s28, $0x4DC0;
	v3 =	vld [tilespmem:s29+$0x0];
	_ =	sdelay $0x3  }
.Ltmp1:
0x1c: {  	(pc) =	sbr.rel @p0 .LBB2_4-.Ltmp1, $2  }
0x1d: {  	_ =	sdelay $0x2  }
0x1e: {  	s29 =	sshra.s32 s28, $0x2;
	s28 =	sadd.s32 $0x40, s28;
	[tilespmem:v3+s16+$0x0] =	vst.idx.add.f32.msk $0xffff, v2  }
0x1f: {  	v3 =	vld [tilespmem:s29+$0x0];
	_ =	sdelay $0x7  }
0x20: {  	[tilespmem:v3+s16+$0x0] =	vst.idx.add.f32.msk $0xffff, v2  }
0x21: {  	v3 =	vld [tilespmem:$0x1380];
	_ =	sdelay $0x7  }
0x22: {  	[tilespmem:v3+s16+$0x0] =	vst.idx.add.f32.msk $0xff, v2  }
0x23: {  	[hbm4b:s3+s2] =	stream.linear.scatter [tilespmem:s16], [sflag:$0x1], $0x3E8, $0x38;
	[tilespmem:$0x3AA8] =	vst v63  }
0x24: {  	_ =	swait.ge [sflag:s15], $0x3E8  }
0x25: {  	[sflag:s15] =	ssyncset.done $0x0  }
0x26: {  	[sflag:s15] =	ssyncadd.s32 $0xFFFFFC18  }
0x27: {  	[hbm4b:s5+s2] =	stream.linear.scatter [tilespmem:s17], [sflag:$0x1], $0x3E8, $0x38;
	[tilespmem:$0x3AA8] =	vst v63  }
0x28: {  	_ =	swait.ge [sflag:s15], $0x3E8  }
0x29: {  	[sflag:s15] =	ssyncset.done $0x0  }
0x2a: {  	[sflag:s15] =	ssyncadd.s32 $0xFFFFFC18  }
0x2b: {  	[hbm4b:s6+s2] =	stream.linear.scatter [tilespmem:s18], [sflag:$0x1], $0x3E8, $0x38;
	[tilespmem:$0x3AA8] =	vst v63  }
0x2c: {  	_ =	swait.ge [sflag:s15], $0x3E8  }
0x2d: {  	[sflag:s15] =	ssyncset.done $0x0  }
0x2e: {  	[sflag:s15] =	ssyncadd.s32 $0xFFFFFC18  }
0x2f: {  	[hbm4b:s7+s2] =	stream.linear.scatter [tilespmem:s19], [sflag:$0x1], $0x3E8, $0x38;
	[tilespmem:$0x3AA8] =	vst v63  }
0x30: {  	_ =	swait.ge [sflag:s15], $0x3E8  }
0x31: {  	[sflag:s15] =	ssyncset.done $0x0  }
0x32: {  	[sflag:s15] =	ssyncadd.s32 $0xFFFFFC18  }
0x33: {  	[hbm4b:s8+s2] =	stream.linear.scatter [tilespmem:s20], [sflag:$0x1], $0x3E8, $0x38;
	[tilespmem:$0x3AA8] =	vst v63  }
0x34: {  	_ =	swait.ge [sflag:s15], $0x3E8  }
0x35: {  	[sflag:s15] =	ssyncset.done $0x0  }
0x36: {  	[sflag:s15] =	ssyncadd.s32 $0xFFFFFC18  }
0x37: {  	[hbm4b:s9+s2] =	stream.linear.scatter [tilespmem:s21], [sflag:$0x1], $0x3E8, $0x38;
	[tilespmem:$0x3AA8] =	vst v63  }
0x38: {  	_ =	swait.ge [sflag:s15], $0x3E8  }
0x39: {  	[sflag:s15] =	ssyncset.done $0x0  }
0x3a: {  	[sflag:s15] =	ssyncadd.s32 $0xFFFFFC18  }
0x3b: {  	[hbm4b:s10+s2] =	stream.linear.scatter [tilespmem:s22], [sflag:$0x1], $0x3E8, $0x38;
	[tilespmem:$0x3AA8] =	vst v63  }
0x3c: {  	_ =	swait.ge [sflag:s15], $0x3E8  }
0x3d: {  	[sflag:s15] =	ssyncset.done $0x0  }
0x3e: {  	[sflag:s15] =	ssyncadd.s32 $0xFFFFFC18  }
0x3f: {  	[hbm4b:s11+s2] =	stream.linear.scatter [tilespmem:s23], [sflag:$0x1], $0x3E8, $0x38;
	[tilespmem:$0x3AA8] =	vst v63  }
0x40: {  	_ =	swait.ge [sflag:s15], $0x3E8  }
0x41: {  	[sflag:s15] =	ssyncset.done $0x0  }
0x42: {  	[sflag:s15] =	ssyncadd.s32 $0xFFFFFC18  }
0x43: {  	[hbm4b:s12+s2] =	stream.linear.scatter [tilespmem:s24], [sflag:$0x1], $0x3E8, $0x38;
	[tilespmem:$0x3AA8] =	vst v63  }
0x44: {  	s26 =	sadd.s32 $0x1, s26;
	_ =	swait.ge [sflag:s15], $0x3E8  }
0x45: {  	p0 =	sne.s32 s26, s14;
	[sflag:s15] =	ssyncset.done $0x0  }
.Ltmp2:
0x46: {  	[sflag:s15] =	ssyncadd.s32 $0xFFFFFC18;
	(pc) =	sbr.rel @p0 .LBB2_1-.Ltmp2, $4  }
0x47: {  	[hbm4b:s13+s2] =	stream.linear.scatter [tilespmem:s25], [sflag:$0x1], $0x3E8, $0x38;
	[tilespmem:$0x3AA8] =	vst v63  }
0x48: {  	_ =	swait.ge [sflag:s15], $0x3E8  }
0x49: {  	[sflag:s15] =	ssyncset.done $0x0  }
0x4a: {  	[sflag:s15] =	ssyncadd.s32 $0xFFFFFC18  }
0x4b: {  	_ =	sfence.sel $0x180000  }
0x4c: {  	[bflag:$0x0] =	sbarrier.arrive $0xFFFF  }
0x4d: {  	p0 =	sne.s32 s0, $0x0;
	_ =	strace $0x90000047  }
0x4e: {  	s0 =	sadd.s32 @!p0 $0x100000, s1;
	[bflag:$0x2] =	sbarrier.arrive $0xFFFF  }
0x4f: {  	[sflag:s0] =	ssyncadd.tile.s32 @!p0 $0x1;
	_ =	shalt  }
.Lfunc_end2:
_tile_overlayer_lowered:
.L_overlay_start_2:
0x50: {  	(tag) =	ssettag $0x2  }
0x51: {  	s0 =	rddreg [dreg:$0x0];
	s2 =	stileid.u32  }
0x52: {  	s1 =	rddreg [dreg:$0x1];
	p0 =	sne.s32 s2, $0x0  }
0x53: {  	s3 =	rddreg [dreg:$0x2];
	[bflag:$0x3] =	sbarrier.arrive $0xFFFF;
	s2 =	simm.s32 @!p0 $0x1C01  }
0x54: {  	[timem:s3], [sflag:s2] =	dma.local @!p0 [hbm:s0], s1  }
0x55: {  	s0 =	simm.s32 @!p0 $0x1  }
0x56: {  	_ =	swait.ge @!p0 [sflag:s0], s1  }
0x57: {  	s1 =	ssub.s32 @!p0 $0x0, s1;
	[sflag:s0] =	ssyncset.done @!p0 $0x0  }
0x58: {  	[sflag:s0] =	ssyncadd.s32 @!p0 s1  }
0x59: {  	[bflag:$0x3] =	sbarrier.arrive $0xFFFF  }
0x5a: {  	_ =	shalt  }

// kernel: kernel.9.cloned.1.call-start
scs
__scs_entry_jumppad:
0x0: {  	(pc) =	sbr.rel $0x88, $3  }
0x1: {  	(tag) =	ssettag $0x0;
	lr =	simm.s32 $0x1  }
0x2: {  	[smem:$0x3F9D] =	sst lr;
	_ =	strace $0xD0000000  }
0x3: {  	_ = 	snop  }
0x4: {  	_ = 	snop  }
0x5: {  	_ = 	snop  }
0x6: {  	_ = 	snop  }
0x7: {  	_ = 	snop  }
__scs_overlays_trampoline_lowered:
0x8: {  	[smem:$0x3FAC] =	sst s0  }
0x9: {  	[smem:$0x3FAD] =	sst s1  }
0xa: {  	[smem:$0x3FAE] =	sst s2  }
0xb: {  	[smem:$0x3FAF] =	sst s3  }
0xc: {  	[smem:$0x3FB0] =	sst s4  }
0xd: {  	[smem:$0x3FB1] =	sst s5  }
0xe: {  	[smem:$0x3FB2] =	sst s6  }
0xf: {  	[smem:$0x3FB3] =	sst s7  }
0x10: {  	[smem:$0x3FB4] =	sst s8  }
0x11: {  	[smem:$0x3FB5] =	sst s9;
	s0 =	simm.s32 @!p0 $0x0  }
0x12: {  	s1 =	sld [smem:$0x3F9B];
	s0 =	simm.s32 @p0 $0x1  }
0x13: {  	[smem:$0x3FB6] =	sst s0;
	s0 =	simm.s32 @!p1 $0x0  }
0x14: {  	s2 =	sld [smem:$0x3F9A];
	s0 =	simm.s32 @p1 $0x1  }
0x15: {  	[smem:$0x3FB7] =	sst s0;
	s0 =	simm.s32 @!p2 $0x0  }
0x16: {  	s3 =	sld [smem:$0x3FDB];
	s0 =	simm.s32 @p2 $0x1  }
0x17: {  	s4 =	simm.s32 $0x1BF5;
	[smem:$0x3FB9] =	sst s0  }
0x18: {  	s0 =	sld [smem:$0x3F9C];
	_ =	swait.ge [sflag:s4], $0x0  }
0x19: {  	s7 =	sld [smem:$0x3F9D]  }
0x1a: {  	s8 =	sadd.s32 $0xFFFFE003, lr  }
0x1b: {  	s9 =	sadd.s32 $0xFFFFFEF7, lr;
	s5 =	simm.s32 $0xFFFFFFFF;
	p2 =	slt.u32 s8, $0xFFFFF086  }
0x1c: {  	p1 =	slt.u32 s9, $0xF7A;
	s5 =	simm.s32 @!p2 $0x0  }
0x1d: {  	s5 =	simm.s32 @p1 $0x1;
	p0 =	seq.s32 s7, s2  }
0x1e: {  	s7 =	smul.u32 @!p0 $0xF7A, s2;
	p2 =	seq.s32 @!p0 s5, $0x0  }
0x1f: {  	s9 =	smul.u32 $0xF7A, s1;
	s8 =	simm.s32 @!p0 $0x1BF5;
	p2 =	por !p2, p0  }
0x20: {  	[sflag:s8] =	ssyncset.s32 @!p0 $0xFFFFF086;
	s6 =	sadd.s32 @!p0 s3, s7;
	s7 =	simm.s32 @!p0 $0x108  }
0x21: {  	s3 =	sadd.s32 s3, s9;
	s6 =	sadd.s32 @!p0 $0x88, s6;
	s7 =	simm.s32 @p2 $0x1082  }
0x22: {  	[simem:s7], [sflag:s8] =	dma.local @!p0 [hbm:s6], $0xF7A  }
0x23: {  	s9 =	sor.u32 $0xD0000000, s2;
	s6 =	simm.s32 $0x108;
	_ =	swait.ge @!p0 [sflag:s8], $0x0  }
0x24: {  	s3 =	sadd.s32 $0x88, s3;
	s6 =	simm.s32 @!p1 $0x1082;
	[sflag:s4] =	ssyncset.s32 $0xFFFFF086  }
0x25: {  	[simem:s6], [sflag:s4] =	dma.local [hbm:s3], $0xF7A  }
0x26: {  	[smem:$0x3F9D] =	sst s1;
	(tag) =	ssettag s2;
	_ =	strace s9  }
0x27: {  	s1 =	sld [smem:$0x3FAD]  }
0x28: {  	s2 =	sld [smem:$0x3FAE]  }
0x29: {  	s4 =	sld [smem:$0x3FB0]  }
0x2a: {  	p0 =	seq.s32 s5, $0x0;
	s5 =	sld [smem:$0x3FB1]  }
0x2b: {  	s6 =	sld [smem:$0x3FB2]  }
0x2c: {  	s7 =	sld [smem:$0x3FB3]  }
0x2d: {  	s3 =	simm.s32 $0x108;
	s8 =	sld [smem:$0x3FB4]  }
0x2e: {  	s3 =	simm.s32 @!p0 $0x1082;
	s9 =	sld [smem:$0x3FB5]  }
0x2f: {  	lr =	sadd.s32 s0, s3;
	s0 =	sld [smem:$0x3FAC]  }
0x30: {  	s3 =	sld [smem:$0x3FAF]  }
0x31: {  	[smem:$0x3FB8] =	sst s10  }
0x32: {  	s10 =	sld [smem:$0x3FB6];
	_ =	sdelay $0x3  }
0x33: {  	p0 =	seq.s32 s10, $0x1;
	s10 =	sld [smem:$0x3FB8];
	_ =	sdelay $0x3  }
0x34: {  	[smem:$0x3FB8] =	sst s10  }
0x35: {  	s10 =	sld [smem:$0x3FB7];
	_ =	sdelay $0x3  }
0x36: {  	p1 =	seq.s32 s10, $0x1;
	s10 =	sld [smem:$0x3FB8];
	_ =	sdelay $0x3  }
0x37: {  	[smem:$0x3FB8] =	sst s10  }
0x38: {  	s10 =	sld [smem:$0x3FB9]  }
0x39: {  	_ = 	snop;
	(pc) =	sbr.ind lr, $3  }
0x3a: {  	_ = 	snop  }
0x3b: {  	_ = 	snop  }
0x3c: {  	p2 =	seq.s32 s10, $0x1;
	s10 =	sld [smem:$0x3FB8]  }
0x3d: {  	_ =	shalt  }
0x3e: {  	_ =	shalt  }
0x3f: {  	_ =	shalt  }
0x40: {  	_ =	shalt  }
0x41: {  	_ =	shalt  }
0x42: {  	_ =	shalt  }
0x43: {  	_ =	shalt  }
0x44: {  	_ =	shalt  }
0x45: {  	_ =	shalt  }
0x46: {  	_ =	shalt  }
0x47: {  	_ =	shalt  }
0x48: {  	_ =	shalt  }
0x49: {  	_ =	shalt  }
0x4a: {  	_ =	shalt  }
0x4b: {  	_ =	shalt  }
0x4c: {  	_ =	shalt  }
0x4d: {  	_ =	shalt  }
0x4e: {  	_ =	shalt  }
0x4f: {  	_ =	shalt  }
0x50: {  	_ =	shalt  }
0x51: {  	_ =	shalt  }
0x52: {  	_ =	shalt  }
0x53: {  	_ =	shalt  }
0x54: {  	_ =	shalt  }
0x55: {  	_ =	shalt  }
0x56: {  	_ =	shalt  }
0x57: {  	_ =	shalt  }
0x58: {  	_ =	shalt  }
0x59: {  	_ =	shalt  }
0x5a: {  	_ =	shalt  }
0x5b: {  	_ =	shalt  }
0x5c: {  	_ =	shalt  }
0x5d: {  	_ =	shalt  }
0x5e: {  	_ =	shalt  }
0x5f: {  	_ =	shalt  }
0x60: {  	_ =	shalt  }
0x61: {  	_ =	shalt  }
0x62: {  	_ =	shalt  }
0x63: {  	_ =	shalt  }
0x64: {  	_ =	shalt  }
0x65: {  	_ =	shalt  }
0x66: {  	_ =	shalt  }
0x67: {  	_ =	shalt  }
0x68: {  	_ =	shalt  }
0x69: {  	_ =	shalt  }
0x6a: {  	_ =	shalt  }
0x6b: {  	_ =	shalt  }
0x6c: {  	_ =	shalt  }
0x6d: {  	_ =	shalt  }
0x6e: {  	_ =	shalt  }
0x6f: {  	_ =	shalt  }
0x70: {  	_ =	shalt  }
0x71: {  	_ =	shalt  }
0x72: {  	_ =	shalt  }
0x73: {  	_ =	shalt  }
0x74: {  	_ =	shalt  }
0x75: {  	_ =	shalt  }
0x76: {  	_ =	shalt  }
0x77: {  	_ =	shalt  }
0x78: {  	_ =	shalt  }
0x79: {  	_ =	shalt  }
0x7a: {  	_ =	shalt  }
0x7b: {  	_ =	shalt  }
0x7c: {  	_ =	shalt  }
0x7d: {  	_ =	shalt  }
0x7e: {  	_ =	shalt  }
0x7f: {  	_ =	shalt  }
0x80: {  	_ =	shalt  }
0x81: {  	_ =	shalt  }
0x82: {  	_ =	shalt  }
0x83: {  	_ =	shalt  }
0x84: {  	_ =	shalt  }
0x85: {  	_ =	shalt  }
0x86: {  	_ =	shalt  }
0x87: {  	_ =	shalt  }
.Lfunc_end0:
.L_simem_size_0:
called_computation.1_lowered:
.L_overlay_start_0:
0x88: {  	s2 =	sld [smem:$0x3FD9]  }
0x89: {  	s3 =	sld [smem:$0x3FFE];
	_ =	sdelay $0x1  }
0x8a: {  	s1 =	srdreg.scid  }
0x8b: {  	s0 =	sand.u32 $0x1, s1  }
0x8c: {  	s17 =	sshll.u32 s0, $0xA;
	s2 =	sadd.s32 s3, s2  }
0x8d: {  	s2 =	sadd.s32 s2, s17  }
0x8e: {  	[smem:$0x3FC4] =	sst s2  }
0x8f: {  	_ = 	snop  }
0x90: {  	s2 =	sld [smem:$0x3FD0];
	(tm) =	ssettm $0x1  }
0x91: {  	s18 =	sld [smem:$0x3FFB];
	_ =	sdelay $0x3  }
0x92: {  	_ =	strace s18  }
0x93: {  	s3 =	sld [smem:$0x3FFC];
	_ =	sdelay $0x3  }
0x94: {  	_ =	strace s3  }
0x95: {  	s3 =	sld [smem:$0x3FFD];
	_ =	sdelay $0x3  }
0x96: {  	_ =	strace s3  }
0x97: {  	_ =	strace $0x8FFFFFFF  }
0x98: {  	s19 =	sld [smem:$0x3FDB];
	_ =	sdelay $0x1  }
0x99: {  	s4 =	simm.s32 $_scs_section_size  }
0x9a: {  	s5 =	simm.s32 $_size__tile_overlayer_lowered;
	s6 =	simm.s32 $_tile_overlayer_lowered  }
0x9b: {  	s22 =	simm.s32 $0x1BFF;
	s21 =	sshll.u32 s6, $0x1;
	s3 =	sadd.s32 s4, s19  }
0x9c: {  	s7 =	simm.s32 $0x0;
	s20 =	sshll.u32 s5, $0x1;
	s5 =	sadd.s32 s21, s3  }
0x9d: {  	[timem:s7], [sflag:s22] =	dma.local [hbm:s5], s20  }
0x9e: {  	_ =	swait.ge [sflag:s22], s20  }
0x9f: {  	s4 =	ssub.s32 $0x0, s20;
	[sflag:s22] =	ssyncset.done $0x0  }
0xa0: {  	[sflag:s22] =	ssyncadd.s32 s4;
	_ =	sdelay $0x1  }
0xa1: {  	s23 =	simm.s32 $0x1B8B  }
0xa2: {  	_ =	swait.ge [sflag:s23], $0x1  }
0xa3: {  	[sflag:s23] =	ssyncset.done $0x0  }
0xa4: {  	s25 =	simm.s32 $0x1B8E;
	s24 =	sld [smem:$0x3FFE];
	[sflag:s23] =	ssyncadd.s32 $0xFFFFFFFF  }
0xa5: {  	s26 =	simm.s32 $execute0_lowered;
	[smem:$0x3FD2] =	sst s25  }
0xa6: {  	s5 =	sshll.u32 s26, $0x1;
	_ =	strace $0x80000049;
	[dreg:$0x1] =	wrdreg $0xFFFFFFFF  }
0xa7: {  	s28 =	simm.s32 $_size_execute0_lowered;
	s3 =	sadd.s32 s3, s5;
	[dreg:$0x0] =	wrdreg $0x0  }
0xa8: {  	s5 =	sshll.u32 s28, $0x1;
	[dreg:$0x2] =	wrdreg s3  }
0xa9: {  	[dreg:$0x3] =	wrdreg s5  }
0xaa: {  	[dreg:$0x4] =	wrdreg $0xC0  }
0xab: {  	_ =	task [dreg:s7], $0x5FFFF  }
0xac: {  	[dreg:$0x1] =	wrdreg $0xFFFFFFFF  }
0xad: {  	[dreg:$0x0] =	wrdreg $0x60  }
0xae: {  	[dreg:$0x2] =	wrdreg s2  }
0xaf: {  	[dreg:$0x3] =	wrdreg s24  }
0xb0: {  	[dreg:$0x4] =	wrdreg $0x67200  }
0xb1: {  	[dreg:$0x5] =	wrdreg $0x9  }
0xb2: {  	_ =	task.clear_ibuf [dreg:s7], $0x6FFFF;
	_ =	strace $0x90000049  }
0xb3: {  	s29 =	simm.s32 $0x9;
	_ =	strace $0x8000004B  }
0xb4: {  	_ =	swait.ge [sflag:s29], $0x1  }
0xb5: {  	[sflag:s29] =	ssyncadd.s32 $0xFFFFFFFF  }
0xb6: {  	_ =	strace $0x9000004B  }
0xb7: {  	_ =	sfence  }
0xb8: {  	s30 =	sld [smem:$0x0];
	_ =	sdelay $0x2  }
0xb9: {  	s31 =	sshll.u32 s1, $0xD;
	s1 =	sshrl.u32 s1, $0x2  }
0xba: {  	s3 =	sand.u32 $0x4000, s31;
	s1 =	sadd.s32 s1, s30  }
0xbb: {  	s0 =	sor.u32 s3, s0;
	s1 =	sshll.u32 s1, $0x11  }
0xbc: {  	s0 =	sor.u32 s1, s0  }
0xbd: {  	s0 =	sadd.s32 $0x8F2B, s0  }
0xbe: {  	[sflag:s0] =	ssyncadd.remote.s32 $0x1  }
0xbf: {  	_ =	sfence.sel $0xFFFF  }
0xc0: {  	[dreg:$0x0] =	wrdreg $0xFFFFFFFF;
	(pc) =	sbr.abs _section_cstart, $3  }
0xc1: {  	[dreg:$0x1] =	wrdreg $0xFFFFFFFF  }
0xc2: {  	_ =	task.clear_ibuf [dreg:s7], $0x2FFFF;
	_ =	strace $0x9FFFFFFF  }
0xc3: {  	(tm) =	ssettm $0x7FFFFFFF  }
tec
execute0_lowered:
.L_overlay_start_1:
0x0: {  	(tag) =	ssettag $0x1  }
0x1: {  	s0 =	rddreg [dreg:$0x0]  }
0x2: {  	s1 =	rddreg [dreg:$0x1];
	s9 =	stileid.u32  }
0x3: {  	s2 =	rddreg [dreg:$0x2];
	s3 =	simm.s32 $0x0;
	s5 =	smul.u32 $0x4E2, s9  }
0x4: {  	s4 =	srdreg.scid;
	s28 =	simm.s32 $0x50;
	s7 =	smul.u32 $0x4E200, s9  }
0x5: {  	s29 =	simm.s32 $0x3F20;
	s30 =	simm.s32 $0x1;
	s18 =	smul.u32 $0x271, s9  }
0x6: {  	s31 =	simm.s32 $0x0;
	s4 =	sand.u32 $0x1, s4;
	s17 =	smul.u32 $0x2710, s9  }
0x7: {  	[smem:$0x7FF] =	sst s3;
	s6 =	smul.u32 $0x27100, s4;
	s4 =	ssub.s32 $0x2, s4  }
0x8: {  	_ =	strace $0x8000004A;
	s23 =	sadd.s32 s5, s1;
	s16 =	sshrl.u32 s4, $0x1  }
0x9: {  	s19 =	sshrl.u32 s7, $0x2;
	s20 =	sadd.s32 $0x7D, s18;
	[dreg:$0x4] =	wrdreg s17  }
0xa: {  	s24 =	sadd.s32 $0xFA, s18;
	s25 =	sadd.s32 $0x177, s18;
	s26 =	sadd.s32 $0x1F4, s18  }
0xb: {  	s1 =	sadd.s32 s6, s1;
	s8 =	ssub.s32 s4, s16;
	s4 =	sadd.s32 s0, s6  }
0xc: {  	s7 =	sadd.s32 s19, s2;
	s10 =	sshll.u32 s20, $0x4;
	s0 =	sshll.u32 s20, $0x7  }
0xd: {  	s13 =	sshll.u32 s24, $0x4;
	s15 =	sshll.u32 s25, $0x4;
	s18 =	sshll.u32 s26, $0x4  }
0xe: {  	s6 =	sadd.s32 $0xAA00, s1;
	s21 =	smax.u32 s8, $0x1;
	s22 =	sadd.s32 s17, s4  }
0xf: {  	s11 =	sadd.s32 s10, s4;
	s12 =	sadd.s32 s0, s2;
	s14 =	sadd.s32 s13, s4  }
0x10: {  	s1 =	sshll.u32 s24, $0x7;
	s17 =	sadd.s32 s15, s4;
	s0 =	sshll.u32 s25, $0x7  }
0x11: {  	s20 =	sadd.s32 s18, s4;
	s24 =	simm.s32 $0x2;
	[dreg:$0x5] =	wrdreg s21  }
0x12: {  	s25 =	simm.s32 $0x3E80;
	[dreg:$0x6] =	wrdreg s22;
	s16 =	sadd.s32 s1, s2  }
0x13: {  	s1 =	sshll.u32 s26, $0x7;
	s19 =	sadd.s32 s0, s2;
	s22 =	sadd.s32 $0x5A00, s23  }
0x14: {  	s23 =	sadd.s32 $0xA00, s23;
	s26 =	simm.s32 $0x3ED0;
	s21 =	sadd.s32 s1, s2  }
.LBB2_1:
0x15: {  	s0 =	rddreg [dreg:$0x6]  }
0x16: {  	[tilespmem:s3], [sflag:$0x2] =	stream.linear.gather [hbm4b:s0+s3], $0x3E80, $0x38;
	[tilespmem:$0x19FA0] =	vst v63  }
0x17: {  	_ =	swait.ge [sflag:s24], $0x3E80  }
0x18: {  	[sflag:s24] =	ssyncset.done $0x0  }
0x19: {  	[sflag:s24] =	ssyncadd.s32 $0xFFFFC180  }
0x1a: {  	[spmem:s7] =	stream.linear.scatter [tilespmem:s3], [sflag:$0x2], $0x3E80, $0x38;
	[tilespmem:$0x19FA0] =	vst v63  }
0x1b: {  	_ =	swait.ge [sflag:s24], $0x3E80  }
0x1c: {  	[sflag:s24] =	ssyncset.done $0x0  }
0x1d: {  	[sflag:s24] =	ssyncadd.s32 $0xFFFFC180  }
0x1e: {  	[tilespmem:s3], [sflag:$0x2] =	stream.linear.gather [hbm4b:s11+s3], $0x3E80, $0x38;
	[tilespmem:$0x19FA0] =	vst v63  }
0x1f: {  	_ =	swait.ge [sflag:s24], $0x3E80  }
0x20: {  	[sflag:s24] =	ssyncset.done $0x0  }
0x21: {  	[sflag:s24] =	ssyncadd.s32 $0xFFFFC180  }
0x22: {  	[spmem:s12] =	stream.linear.scatter [tilespmem:s3], [sflag:$0x2], $0x3E80, $0x38;
	[tilespmem:$0x19FA0] =	vst v63  }
0x23: {  	_ =	swait.ge [sflag:s24], $0x3E80  }
0x24: {  	[sflag:s24] =	ssyncset.done $0x0  }
0x25: {  	[sflag:s24] =	ssyncadd.s32 $0xFFFFC180  }
0x26: {  	[tilespmem:s3], [sflag:$0x2] =	stream.linear.gather [hbm4b:s14+s3], $0x3E80, $0x38;
	[tilespmem:$0x19FA0] =	vst v63  }
0x27: {  	_ =	swait.ge [sflag:s24], $0x3E80  }
0x28: {  	[sflag:s24] =	ssyncset.done $0x0  }
0x29: {  	[sflag:s24] =	ssyncadd.s32 $0xFFFFC180  }
0x2a: {  	[spmem:s16] =	stream.linear.scatter [tilespmem:s3], [sflag:$0x2], $0x3E80, $0x38;
	[tilespmem:$0x19FA0] =	vst v63  }
0x2b: {  	_ =	swait.ge [sflag:s24], $0x3E80  }
0x2c: {  	[sflag:s24] =	ssyncset.done $0x0  }
0x2d: {  	[sflag:s24] =	ssyncadd.s32 $0xFFFFC180  }
0x2e: {  	[tilespmem:s3], [sflag:$0x2] =	stream.linear.gather [hbm4b:s17+s3], $0x3E80, $0x38;
	[tilespmem:$0x19FA0] =	vst v63  }
0x2f: {  	_ =	swait.ge [sflag:s24], $0x3E80  }
0x30: {  	[sflag:s24] =	ssyncset.done $0x0  }
0x31: {  	[sflag:s24] =	ssyncadd.s32 $0xFFFFC180  }
0x32: {  	[spmem:s19] =	stream.linear.scatter [tilespmem:s3], [sflag:$0x2], $0x3E80, $0x38;
	[tilespmem:$0x19FA0] =	vst v63  }
0x33: {  	_ =	swait.ge [sflag:s24], $0x3E80  }
0x34: {  	[sflag:s24] =	ssyncset.done $0x0  }
0x35: {  	[sflag:s24] =	ssyncadd.s32 $0xFFFFC180  }
0x36: {  	[tilespmem:s3], [sflag:$0x2] =	stream.linear.gather [hbm4b:s20+s3], $0x3E80, $0x38;
	[tilespmem:$0x19FA0] =	vst v63  }
0x37: {  	_ =	swait.ge [sflag:s24], $0x3E80  }
0x38: {  	[sflag:s24] =	ssyncset.done $0x0  }
0x39: {  	[sflag:s24] =	ssyncadd.s32 $0xFFFFC180  }
0x3a: {  	[spmem:s21] =	stream.linear.scatter [tilespmem:s3], [sflag:$0x2], $0x3E80, $0x38;
	[tilespmem:$0x19FA0] =	vst v63  }
0x3b: {  	_ =	swait.ge [sflag:s24], $0x3E80  }
0x3c: {  	[sflag:s24] =	ssyncset.done $0x0  }
0x3d: {  	[sflag:s24] =	ssyncadd.s32 $0xFFFFC180  }
0x3e: {  	s8 =	sadd.s32 $0x0, s23;
	[bflag:$0x0] =	sbarrier.arrive $0xFFFF  }
0x3f: {  	[tilespmem:s25], [sflag:$0x2] =	stream.linear.gather [hbm4b:s8+s3], $0x50, $0x38;
	[tilespmem:$0x19FA0] =	vst v63  }
0x40: {  	_ =	swait.ge [sflag:s24], $0x50  }
0x41: {  	[sflag:s24] =	ssyncset.done $0x0  }
0x42: {  	s9 =	sadd.s32 $0x0, s22;
	[sflag:s24] =	ssyncadd.s32 $0xFFFFFFB0  }
0x43: {  	[tilespmem:s26], [sflag:$0x2] =	stream.linear.gather [hbm4b:s9+s3], $0x50, $0x38;
	[tilespmem:$0x19FA0] =	vst v63  }
0x44: {  	_ =	swait.ge [sflag:s24], $0x50  }
0x45: {  	[sflag:s24] =	ssyncset.done $0x0  }
0x46: {  	[sflag:s24] =	ssyncadd.s32 $0xFFFFFFB0  }
0x47: {  	[tilespmem:s29], [sflag:$0x1] =	stream.indirect.gather [hbm4b:s4+s28], $0x80, s25, s28, $0xb8;
	[tilespmem:$0x19FA0] =	vst v63  }
0x48: {  	_ =	swait.ge [sflag:s30], $0x2800  }
0x49: {  	[sflag:s30] =	ssyncset.done $0x0  }
0x4a: {  	[sflag:s30] =	ssyncadd.s32 $0xFFFFD800  }
0x4b: {  	[spmem:s2] =	stream.indirect.scatter.add.f32 [tilespmem:s29], [sflag:$0x2], $0x80, s26, s28, $0xb8;
	[tilespmem:$0x19FA0] =	vst v63  }
0x4c: {  	_ =	swait.ge [sflag:s24], $0x2800  }
0x4d: {  	s1 =	simm.s32 $0x14;
	s0 =	simm.s32 $0xA;
	[sflag:s24] =	ssyncset.done $0x0  }
.LBB2_2:
0x4e: {  	s8 =	sadd.s32 s0, s23  }
0x4f: {  	[sflag:s24] =	ssyncadd.s32 $0xFFFFD800;
	s9 =	smov.u32 s1;
	s5 =	sadd.s32 $0xA, s1  }
0x50: {  	[tilespmem:s25], [sflag:$0x2] =	stream.linear.gather [hbm4b:s8+s3], $0x50, $0x38;
	[tilespmem:$0x19FA0] =	vst v63  }
0x51: {  	p0 =	sne.s32 s1, $0x4D8;
	_ =	swait.ge [sflag:s24], $0x50  }
0x52: {  	[sflag:s24] =	ssyncset.done $0x0  }
0x53: {  	s1 =	sadd.s32 s0, s22;
	s0 =	smov.u32 s9;
	[sflag:s24] =	ssyncadd.s32 $0xFFFFFFB0  }
0x54: {  	[tilespmem:s26], [sflag:$0x2] =	stream.linear.gather [hbm4b:s1+s3], $0x50, $0x38;
	[tilespmem:$0x19FA0] =	vst v63  }
0x55: {  	_ =	swait.ge [sflag:s24], $0x50  }
0x56: {  	[sflag:s24] =	ssyncset.done $0x0  }
0x57: {  	[sflag:s24] =	ssyncadd.s32 $0xFFFFFFB0  }
0x58: {  	[tilespmem:s29], [sflag:$0x1] =	stream.indirect.gather [hbm4b:s4+s28], $0x80, s25, s28, $0xb8;
	[tilespmem:$0x19FA0] =	vst v63  }
0x59: {  	_ =	swait.ge [sflag:s30], $0x2800  }
.Ltmp0:
0x5a: {  	[sflag:s30] =	ssyncset.done $0x0;
	(pc) =	sbr.rel @p0 .LBB2_2-.Ltmp0, $4  }
0x5b: {  	[sflag:s30] =	ssyncadd.s32 $0xFFFFD800  }
0x5c: {  	[spmem:s2] =	stream.indirect.scatter.add.f32 [tilespmem:s29], [sflag:$0x2], $0x80, s26, s28, $0xb8;
	[tilespmem:$0x19FA0] =	vst v63  }
0x5d: {  	_ =	swait.ge [sflag:s24], $0x2800  }
0x5e: {  	s1 =	smov.u32 s5;
	[sflag:s24] =	ssyncset.done $0x0  }
0x5f: {  	s1 =	sadd.s32 s0, s23;
	[sflag:s24] =	ssyncadd.s32 $0xFFFFD800  }
0x60: {  	[tilespmem:s25], [sflag:$0x2] =	stream.linear.gather [hbm4b:s1+s3], $0x50, $0x38;
	[tilespmem:$0x19FA0] =	vst v63  }
0x61: {  	_ =	swait.ge [sflag:s24], $0x50  }
0x62: {  	[sflag:s24] =	ssyncset.done $0x0  }
0x63: {  	s5 =	sadd.s32 s0, s22;
	[sflag:s24] =	ssyncadd.s32 $0xFFFFFFB0  }
0x64: {  	[tilespmem:s26], [sflag:$0x2] =	stream.linear.gather [hbm4b:s5+s3], $0x50, $0x38;
	[tilespmem:$0x19FA0] =	vst v63  }
0x65: {  	_ =	swait.ge [sflag:s24], $0x50  }
0x66: {  	[sflag:s24] =	ssyncset.done $0x0  }
0x67: {  	[sflag:s24] =	ssyncadd.s32 $0xFFFFFFB0  }
0x68: {  	[tilespmem:s29], [sflag:$0x1] =	stream.indirect.gather [hbm4b:s4+s28], $0x80, s25, s28, $0xb8;
	[tilespmem:$0x19FA0] =	vst v63  }
0x69: {  	_ =	swait.ge [sflag:s30], $0x2800  }
0x6a: {  	[sflag:s30] =	ssyncset.done $0x0  }
0x6b: {  	[sflag:s30] =	ssyncadd.s32 $0xFFFFD800  }
0x6c: {  	[spmem:s2] =	stream.indirect.scatter.add.f32 [tilespmem:s29], [sflag:$0x2], $0x80, s26, s28, $0xb8;
	[tilespmem:$0x19FA0] =	vst v63  }
0x6d: {  	_ =	swait.ge [sflag:s24], $0x2800  }
0x6e: {  	[sflag:s24] =	ssyncset.done $0x0  }
0x6f: {  	[sflag:s24] =	ssyncadd.s32 $0xFFFFD800  }
0x70: {  	[bflag:$0x0] =	sbarrier.arrive $0xFFFF  }
0x71: {  	[tilespmem:s3], [sflag:$0x2] =	stream.linear.gather [spmem:s7], $0x3E80, $0x38;
	[tilespmem:$0x19FA0] =	vst v63  }
0x72: {  	_ =	swait.ge [sflag:s24], $0x3E80  }
0x73: {  	[sflag:s24] =	ssyncset.done $0x0;
	s8 =	rddreg [dreg:$0x4]  }
0x74: {  	[sflag:s24] =	ssyncadd.s32 $0xFFFFC180;
	s0 =	sadd.s32 s8, s6  }
0x75: {  	[hbm4b:s0+s3] =	stream.linear.scatter [tilespmem:s3], [sflag:$0x2], $0x3E80, $0x38;
	[tilespmem:$0x19FA0] =	vst v63  }
0x76: {  	_ =	swait.ge [sflag:s24], $0x3E80  }
0x77: {  	[sflag:s24] =	ssyncset.done $0x0  }
0x78: {  	[sflag:s24] =	ssyncadd.s32 $0xFFFFC180  }
0x79: {  	[tilespmem:s3], [sflag:$0x2] =	stream.linear.gather [spmem:s12], $0x3E80, $0x38;
	[tilespmem:$0x19FA0] =	vst v63  }
0x7a: {  	_ =	swait.ge [sflag:s24], $0x3E80  }
0x7b: {  	[sflag:s24] =	ssyncset.done $0x0  }
0x7c: {  	s9 =	sadd.s32 s10, s6;
	[sflag:s24] =	ssyncadd.s32 $0xFFFFC180  }
0x7d: {  	[hbm4b:s9+s3] =	stream.linear.scatter [tilespmem:s3], [sflag:$0x2], $0x3E80, $0x38;
	[tilespmem:$0x19FA0] =	vst v63  }
0x7e: {  	_ =	swait.ge [sflag:s24], $0x3E80  }
0x7f: {  	[sflag:s24] =	ssyncset.done $0x0  }
0x80: {  	[sflag:s24] =	ssyncadd.s32 $0xFFFFC180  }
0x81: {  	[tilespmem:s3], [sflag:$0x2] =	stream.linear.gather [spmem:s16], $0x3E80, $0x38;
	[tilespmem:$0x19FA0] =	vst v63  }
0x82: {  	_ =	swait.ge [sflag:s24], $0x3E80  }
0x83: {  	[sflag:s24] =	ssyncset.done $0x0  }
0x84: {  	s1 =	sadd.s32 s13, s6;
	[sflag:s24] =	ssyncadd.s32 $0xFFFFC180  }
0x85: {  	[hbm4b:s1+s3] =	stream.linear.scatter [tilespmem:s3], [sflag:$0x2], $0x3E80, $0x38;
	[tilespmem:$0x19FA0] =	vst v63  }
0x86: {  	_ =	swait.ge [sflag:s24], $0x3E80  }
0x87: {  	[sflag:s24] =	ssyncset.done $0x0  }
0x88: {  	[sflag:s24] =	ssyncadd.s32 $0xFFFFC180  }
0x89: {  	[tilespmem:s3], [sflag:$0x2] =	stream.linear.gather [spmem:s19], $0x3E80, $0x38;
	[tilespmem:$0x19FA0] =	vst v63  }
0x8a: {  	_ =	swait.ge [sflag:s24], $0x3E80  }
0x8b: {  	[sflag:s24] =	ssyncset.done $0x0  }
0x8c: {  	s5 =	sadd.s32 s15, s6;
	[sflag:s24] =	ssyncadd.s32 $0xFFFFC180  }
0x8d: {  	[hbm4b:s5+s3] =	stream.linear.scatter [tilespmem:s3], [sflag:$0x2], $0x3E80, $0x38;
	[tilespmem:$0x19FA0] =	vst v63  }
0x8e: {  	_ =	swait.ge [sflag:s24], $0x3E80  }
0x8f: {  	[sflag:s24] =	ssyncset.done $0x0  }
0x90: {  	[sflag:s24] =	ssyncadd.s32 $0xFFFFC180  }
0x91: {  	[tilespmem:s3], [sflag:$0x2] =	stream.linear.gather [spmem:s21], $0x3E80, $0x38;
	[tilespmem:$0x19FA0] =	vst v63  }
0x92: {  	_ =	swait.ge [sflag:s24], $0x3E80  }
0x93: {  	[sflag:s24] =	ssyncset.done $0x0  }
0x94: {  	s8 =	sadd.s32 s18, s6;
	[sflag:s24] =	ssyncadd.s32 $0xFFFFC180  }
0x95: {  	[hbm4b:s8+s3] =	stream.linear.scatter [tilespmem:s3], [sflag:$0x2], $0x3E80, $0x38;
	[tilespmem:$0x19FA0] =	vst v63  }
0x96: {  	_ =	swait.ge [sflag:s24], $0x3E80  }
0x97: {  	s31 =	sadd.s32 $0x1, s31;
	s9 =	rddreg [dreg:$0x5]  }
0x98: {  	p0 =	sne.s32 s31, s9  }
.Ltmp1:
0x99: {  	_ = 	snop;
	(pc) =	sbr.rel @p0 .LBB2_1-.Ltmp1, $3  }
0x9a: {  	_ =	sdelay $0x1  }
0x9b: {  	[sflag:s24] =	ssyncset.done $0x0  }
0x9c: {  	[sflag:s24] =	ssyncadd.s32 $0xFFFFC180  }
0x9d: {  	_ =	sfence.sel $0x180000  }
0x9e: {  	[bflag:$0x0] =	sbarrier.arrive $0xFFFF  }
0x9f: {  	_ =	strace $0x9000004A  }
0xa0: {  	s0 =	stileid.u32;
	[bflag:$0x2] =	sbarrier.arrive $0xFFFF  }
0xa1: {  	p0 =	sne.s32 s0, $0x0;
	s0 =	rddreg [dreg:$0x3]  }
0xa2: {  	s0 =	sadd.s32 @!p0 $0x100000, s0  }
0xa3: {  	[sflag:s0] =	ssyncadd.tile.s32 @!p0 $0x1;
	_ =	shalt  }
.Lfunc_end2:
_tile_overlayer_lowered:
.L_overlay_start_2:
0xa4: {  	(tag) =	ssettag $0x2  }
0xa5: {  	s0 =	rddreg [dreg:$0x0];
	s2 =	stileid.u32  }
0xa6: {  	s1 =	rddreg [dreg:$0x1];
	p0 =	sne.s32 s2, $0x0  }
0xa7: {  	s3 =	rddreg [dreg:$0x2];
	[bflag:$0x3] =	sbarrier.arrive $0xFFFF;
	s2 =	simm.s32 @!p0 $0x1C02  }
0xa8: {  	[timem:s3], [sflag:s2] =	dma.local @!p0 [hbm:s0], s1  }
0xa9: {  	s0 =	simm.s32 @!p0 $0x2  }
0xaa: {  	_ =	swait.ge @!p0 [sflag:s0], s1  }
0xab: {  	s1 =	ssub.s32 @!p0 $0x0, s1;
	[sflag:s0] =	ssyncset.done @!p0 $0x0  }
0xac: {  	[sflag:s0] =	ssyncadd.s32 @!p0 s1  }
0xad: {  	[bflag:$0x3] =	sbarrier.arrive $0xFFFF  }
0xae: {  	_ =	shalt  }

</sc_bundles>
